<compile_context>
chip_gen: v7x
topology: tpu7x:2x2x1
jax: 0.10.2.dev20260603
libtpu: 0.0.44.dev20260713+nightly
codegen_flags: <defaults>
</compile_context>

<pallas_src>
import functools

import jax
import jax.numpy as jnp
from jax import lax
from jax.experimental import pallas as pl
from jax.experimental.pallas import tpu as pltpu
from jax.experimental.pallas import tpu_sc as plsc

N_NODES = 10000
D = 128
NC = 2
NS = 16
NW = NC * NS
K = 64
SLOW_FRAC = 0.631
NBUF = 2
N_PAD = 10240
ROWS_PER_TILE = N_PAD // NS


def _sc_aggregate(x_pad, src, dst, n0, n1, with_deg):
    mesh = plsc.VectorSubcoreMesh(core_axis_name="c", subcore_axis_name="s")

    out_type = [jax.ShapeDtypeStruct((NC, N_PAD, D), jnp.float32)]
    scratch = (
        [pltpu.VMEM((K,), jnp.int32) for _ in range(2 * NBUF)]
        + [pltpu.VMEM((K, D), jnp.float32) for _ in range(NBUF)]
        + [pltpu.VMEM_SHARED((N_PAD, D), jnp.float32)]
        + [pltpu.SemaphoreType.DMA for _ in range(2 * NBUF)]
    )
    if with_deg:
        out_type.append(jax.ShapeDtypeStruct((NC, N_PAD), jnp.float32))
        scratch += [
            pltpu.VMEM((K,), jnp.float32),
            pltpu.VMEM((K,), jnp.float32),
            pltpu.VMEM_SHARED((N_PAD,), jnp.float32),
        ]

    @functools.partial(pl.kernel, mesh=mesh, out_type=out_type,
                       scratch_types=scratch)
    def agg(x_hbm, src_hbm, dst_hbm, *refs):
        n_out = 2 if with_deg else 1
        acc_hbm = refs[0]
        p = n_out
        sv = refs[p:p + NBUF]; p += NBUF
        dv = refs[p:p + NBUF]; p += NBUF
        rv = refs[p:p + NBUF]; p += NBUF
        acc_sh = refs[p]; p += 1
        semi = refs[p:p + NBUF]; p += NBUF
        semr = refs[p:p + NBUF]; p += NBUF
        if with_deg:
            deg_hbm = refs[1]
            ones_v, zdeg_v, deg_sh = refs[p:p + 3]
        c = lax.axis_index("c")
        s = lax.axis_index("s")
        n_chunks = jnp.where(c == 0, n0, n1)
        base = jnp.where(c == 0, s * (n0 * K),
                         NS * (n0 * K) + s * (n1 * K))

        zero16 = jnp.zeros((16,), jnp.float32)

        def fill_zrow(i, _):
            r = i // (D // 16)
            col = (i % (D // 16)) * 16
            rv[0][r, pl.ds(col, 16)] = zero16
            return 0
        lax.fori_loop(0, K * (D // 16), fill_zrow, 0)

        if with_deg:
            one16 = jnp.ones((16,), jnp.float32)
            def fill_deg_bufs(i, _):
                zdeg_v[pl.ds(i * 16, 16)] = zero16
                ones_v[pl.ds(i * 16, 16)] = one16
                return 0
            lax.fori_loop(0, K // 16, fill_deg_bufs, 0)

        row0 = s * ROWS_PER_TILE
        def zero_acc(i, _):
            pltpu.sync_copy(rv[0], acc_sh.at[pl.ds(row0 + i * K, K)])
            if with_deg:
                pltpu.sync_copy(zdeg_v,
                                deg_sh.at[pl.ds(row0 + i * K, K)])
            return 0
        lax.fori_loop(0, ROWS_PER_TILE // K, zero_acc, 0)

        plsc.subcore_barrier()

        def idx_load(g, j):
            pltpu.async_copy(src_hbm.at[pl.ds(base + g * K, K)],
                             sv[j], semi[j])
            pltpu.async_copy(dst_hbm.at[pl.ds(base + g * K, K)],
                             dv[j], semi[j])

        def idx_wait(g, j):
            pltpu.make_async_copy(
                src_hbm.at[pl.ds(base + g * K, K)], sv[j], semi[j]).wait()
            pltpu.make_async_copy(
                dst_hbm.at[pl.ds(base + g * K, K)], dv[j], semi[j]).wait()

        def g_start(j):
            pltpu.async_copy(x_hbm.at[sv[j]], rv[j], semr[j])

        def g_wait(j):
            pltpu.make_async_copy(x_hbm.at[sv[j]], rv[j], semr[j]).wait()

        def scat(j):
            pltpu.sync_copy(rv[j], acc_sh.at[dv[j]], add=True)
            if with_deg:
                pltpu.sync_copy(ones_v, deg_sh.at[dv[j]], add=True)

        for j in range(NBUF):
            idx_load(j, j)
        for j in range(NBUF - 1):
            idx_wait(j, j)
            g_start(j)

        def body(t, _):
            g0 = t * NBUF
            for j in range(NBUF):
                g = g0 + j
                jp = (j + NBUF - 1) % NBUF
                idx_wait(g + NBUF - 1, jp)
                g_start(jp)
                g_wait(j)
                scat(j)
                idx_load(g + NBUF, j)
            return 0
        lax.fori_loop(0, n_chunks // NBUF - 1, body, 0)

        idx_wait(n_chunks - 1, NBUF - 1)
        g_start(NBUF - 1)
        for j in range(NBUF):
            g_wait(j)
            scat(j)

        plsc.subcore_barrier()

        pltpu.sync_copy(acc_sh.at[pl.ds(row0, ROWS_PER_TILE)],
                        acc_hbm.at[c, pl.ds(row0, ROWS_PER_TILE)])
        if with_deg:
            pltpu.sync_copy(deg_sh.at[pl.ds(row0, ROWS_PER_TILE)],
                            deg_hbm.at[c, pl.ds(row0, ROWS_PER_TILE)])

    res = agg(x_pad, src, dst)
    if not isinstance(res, (list, tuple)):
        res = (res,)
    return tuple(res)


BLK = 1000


def _tc_layer(acc, deg, x, wn, ws, b2d, relu):
    def body(acc_ref, deg_ref, x_ref, wn_ref, ws_ref, b_ref, o_ref):
        a = acc_ref[0] + acc_ref[1]
        dg = deg_ref[0] + deg_ref[1]
        mean = a / jnp.maximum(dg, 1.0)
        out = jnp.dot(mean, wn_ref[...], preferred_element_type=jnp.float32)
        out = out + jnp.dot(x_ref[...], ws_ref[...],
                            preferred_element_type=jnp.float32)
        out = out + b_ref[...]
        if relu:
            out = jnp.maximum(out, 0.0)
        o_ref[...] = out

    return pl.pallas_call(
        body,
        grid=(N_NODES // BLK,),
        in_specs=[
            pl.BlockSpec((NC, BLK, D), lambda i: (0, i, 0)),
            pl.BlockSpec((NC, BLK, 1), lambda i: (0, i, 0)),
            pl.BlockSpec((BLK, D), lambda i: (i, 0)),
            pl.BlockSpec((D, D), lambda i: (0, 0)),
            pl.BlockSpec((D, D), lambda i: (0, 0)),
            pl.BlockSpec((1, D), lambda i: (0, 0)),
        ],
        out_specs=pl.BlockSpec((BLK, D), lambda i: (i, 0)),
        out_shape=jax.ShapeDtypeStruct((N_NODES, D), jnp.float32),
    )(acc, deg, x, wn, ws, b2d)


def kernel(x, edge_index, W_neigh1, W_self1, b1, W_neigh2, W_self2, b2):
    src = edge_index[0].astype(jnp.int32)
    dst = edge_index[1].astype(jnp.int32)
    e = src.shape[0]
    tp = 2 * (((e + NBUF * NW * K - 1) // (NBUF * NW * K)) * NBUF)
    n0 = max(2 * NBUF, int(round(tp * SLOW_FRAC / 2)) * 2)
    n1 = tp - n0
    e_pad = NS * K * (n0 + n1)
    if e_pad > e:
        src = jnp.concatenate([src, jnp.zeros((e_pad - e,), jnp.int32)])
        dst = jnp.concatenate([dst, jnp.full((e_pad - e,), N_NODES, jnp.int32)])

    acc1, deg = _sc_aggregate(x, src, dst, n0, n1, with_deg=True)
    deg = deg.reshape(NC, N_PAD, 1)
    h = _tc_layer(acc1, deg, x, W_neigh1, W_self1,
                  b1.reshape(1, D), relu=True)
    (acc2,) = _sc_aggregate(h, src, dst, n0, n1, with_deg=False)
    return _tc_layer(acc2, deg, h, W_neigh2, W_self2,
                     b2.reshape(1, D), relu=False)

# --- scband reference (transcript-rebuilt; emitter-appended) ---
"""Pipeline reference for scband-gnnencoder-1236950581296 (READ-ONLY COPY).

The authoritative reference and input builder live on the scoring server;
editing this copy changes nothing except your own understanding.
"""

import jax, jax.numpy as jnp
import numpy as np

N_NODES = 10000
N_EDGES = 320000
D = 128


def _sage_layer(x, edge_index, W_neigh, W_self, b):
    # PyG SAGEConv with mean aggregation:
    #   out = lin_l(mean_{j in N(i)} x_j) + lin_r(x_i)
    src = edge_index[0]
    dst = edge_index[1]
    msgs = jnp.take(x, src, axis=0)                       # gather [E, d]
    agg = jax.ops.segment_sum(msgs, dst, num_segments=N_NODES)  # scatter-add [N, d]
    deg = jax.ops.segment_sum(jnp.ones((msgs.shape[0],), dtype=x.dtype), dst,
                              num_segments=N_NODES)
    mean = agg / jnp.clip(deg, 1.0)[:, None]
    return mean @ W_neigh + x @ W_self + b


def setup_inputs(seed: int = 0) -> dict:
    key = jax.random.key(seed)
    k_x, k_ei, k1, k2, k3, k4 = jax.random.split(key, 6)
    x = jax.random.normal(k_x, (N_NODES, D), dtype=jnp.float32)
    edge_index = jax.random.randint(k_ei, (2, N_EDGES), 0, N_NODES, dtype=jnp.int64)
    s = 1.0 / np.sqrt(D)
    W_neigh1 = jax.random.uniform(k1, (D, D), jnp.float32, -s, s)
    W_self1 = jax.random.uniform(k2, (D, D), jnp.float32, -s, s)
    b1 = jnp.zeros((D,), jnp.float32)
    W_neigh2 = jax.random.uniform(k3, (D, D), jnp.float32, -s, s)
    W_self2 = jax.random.uniform(k4, (D, D), jnp.float32, -s, s)
    b2 = jnp.zeros((D,), jnp.float32)
    return {"x": x, "edge_index": edge_index,
            "W_neigh1": W_neigh1, "W_self1": W_self1, "b1": b1,
            "W_neigh2": W_neigh2, "W_self2": W_self2, "b2": b2}


def reference(x, edge_index, W_neigh1, W_self1, b1, W_neigh2, W_self2, b2):
    # GNNEncoder(layer_kind='sage', num_layers=2, hidden_dim=128, output_dim=128,
    #            dropout=0.0): conv -> ReLU -> (dropout p=0) -> conv
    h = _sage_layer(x, edge_index, W_neigh1, W_self1, b1)
    h = jax.nn.relu(h)
    out = _sage_layer(h, edge_index, W_neigh2, W_self2, b2)
    return out

if __name__ == "__main__":
    import jax
    _d = setup_inputs()
    print(jax.jit(kernel)(*tuple(_d.values())))

</pallas_src>

<mosaic_0001>
#map = affine_map<(d0, d1) -> (0, 0)>
#map1 = affine_map<(d0, d1) -> (0)>
#map2 = affine_map<(d0, d1) -> (0, 0, 0)>
module attributes {stable_mosaic.version = 14 : i64} {
  func.func @agg(%arg0: i32, %arg1: i32, %arg2: memref<10000x128xf32, #tpu.memory_space<hbm>>, %arg3: memref<323584xi32, #tpu.memory_space<hbm>>, %arg4: memref<323584xi32, #tpu.memory_space<hbm>>, %arg5: memref<2x10240x128xf32, #tpu.memory_space<hbm>>, %arg6: memref<64xi32, #tpu.memory_space<vmem>>, %arg7: memref<64xi32, #tpu.memory_space<vmem>>, %arg8: memref<64xi32, #tpu.memory_space<vmem>>, %arg9: memref<64xi32, #tpu.memory_space<vmem>>, %arg10: memref<64x128xf32, #tpu.memory_space<vmem>>, %arg11: memref<64x128xf32, #tpu.memory_space<vmem>>, %arg12: memref<10240x128xf32, #tpu.memory_space<vmem_shared>>, %arg13: memref<!tpu.dma_semaphore, #tpu.memory_space<semaphore_mem>>, %arg14: memref<!tpu.dma_semaphore, #tpu.memory_space<semaphore_mem>>, %arg15: memref<!tpu.dma_semaphore, #tpu.memory_space<semaphore_mem>>, %arg16: memref<!tpu.dma_semaphore, #tpu.memory_space<semaphore_mem>>) attributes {dimension_semantics = [#tpu.dimension_semantics<core_parallel>, #tpu.dimension_semantics<subcore_parallel>], iteration_bounds = array<i64: 2, 16>, scalar_prefetch = 0 : i64, scratch_operands = 11 : i64, tpu.core_type = #tpu.core_type<sc_vector_subcore>, window_params = [{transform_indices = #map}, {transform_indices = #map1}, {transform_indices = #map1}, {transform_indices = #map2}]} {
    %eq3A = arith.constant 0 : i32
    %eq3A_0 = arith.cmpi eq, %arg0, %eq3A : i32
    %jit3A = arith.constant 200 : i32
    %jit3A_1 = arith.constant 116 : i32
    %select_n3A = arith.select %eq3A_0, %jit3A, %jit3A_1 : i32
    %eq3A_2 = arith.constant 0 : i32
    %eq3A_3 = arith.cmpi eq, %arg0, %eq3A_2 : i32
    %mul3A = arith.constant 12800 : i32
    %mul3A_4 = arith.muli %arg1, %mul3A : i32
    %mul3A_5 = arith.constant 7424 : i32
    %mul3A_6 = arith.muli %arg1, %mul3A_5 : i32
    %add3A = arith.constant 204800 : i32
    %add3A_7 = arith.addi %add3A, %mul3A_6 : i32
    %select_n3A_8 = arith.select %eq3A_3, %mul3A_4, %add3A_7 : i32
    %broadcast_in_dim3A = arith.constant 0.000000e+00 : f32
    %broadcast_in_dim3A_9 = vector.broadcast %broadcast_in_dim3A : f32 to vector<16xf32>
    %scan3A = arith.constant 0 : i32
    %scan3A_10 = arith.constant 0 : i32
    %scan3A_11 = arith.constant 512 : i32
    %scan3A_12 = arith.addi %scan3A_10, %scan3A_11 : i32
    %scan3A_13 = arith.constant 1 : i32
    %scan3A_14 = scf.for %scan3A_103 = %scan3A_10 to %scan3A_12 step %scan3A_13 iter_args(%scan3A_104 = %scan3A) -> (i32)  : i32 {
      %jit3A_105 = arith.constant 8 : i32
      %div3A_106 = arith.divsi %scan3A_103, %jit3A_105 : i32
      %sign3A_107 = arith.constant 0 : i32
      %sign3A_108 = arith.cmpi sgt, %scan3A_103, %sign3A_107 : i32
      %sign3A_109 = arith.extui %sign3A_108 : i1 to i32
      %sign3A_110 = arith.constant 0 : i32
      %sign3A_111 = arith.cmpi slt, %scan3A_103, %sign3A_110 : i32
      %sign3A_112 = arith.extui %sign3A_111 : i1 to i32
      %sign3A_113 = arith.subi %sign3A_109, %sign3A_112 : i32
      %sign3A_114 = arith.constant 0 : i32
      %sign3A_115 = arith.cmpi sgt, %jit3A_105, %sign3A_114 : i32
      %sign3A_116 = arith.extui %sign3A_115 : i1 to i32
      %sign3A_117 = arith.constant 0 : i32
      %sign3A_118 = arith.cmpi slt, %jit3A_105, %sign3A_117 : i32
      %sign3A_119 = arith.extui %sign3A_118 : i1 to i32
      %sign3A_120 = arith.subi %sign3A_116, %sign3A_119 : i32
      %ne3A_121 = arith.cmpi ne, %sign3A_113, %sign3A_120 : i32
      %rem3A_122 = arith.remsi %scan3A_103, %jit3A_105 : i32
      %ne3A_123 = arith.constant 0 : i32
      %ne3A_124 = arith.cmpi ne, %rem3A_122, %ne3A_123 : i32
      %and3A_125 = arith.andi %ne3A_121, %ne3A_124 : i1
      %sub3A_126 = arith.constant 1 : i32
      %sub3A_127 = arith.subi %div3A_106, %sub3A_126 : i32
      %select_n3A_128 = arith.select %and3A_125, %sub3A_127, %div3A_106 : i32
      %jit3A_129 = arith.constant 8 : i32
      %eq3A_130 = arith.constant 0 : i32
      %eq3A_131 = arith.cmpi eq, %jit3A_129, %eq3A_130 : i32
      %jit3A_132 = arith.constant 1 : i32
      %select_n3A_133 = arith.select %eq3A_131, %jit3A_132, %jit3A_129 : i32
      %rem3A_134 = arith.remsi %scan3A_103, %select_n3A_133 : i32
      %ne3A_135 = arith.constant 0 : i32
      %ne3A_136 = arith.cmpi ne, %rem3A_134, %ne3A_135 : i32
      %lt3A = arith.constant 0 : i32
      %lt3A_137 = arith.cmpi slt, %rem3A_134, %lt3A : i32
      %lt3A_138 = arith.constant 0 : i32
      %lt3A_139 = arith.cmpi slt, %select_n3A_133, %lt3A_138 : i32
      %ne3A_140 = arith.xori %lt3A_137, %lt3A_139 : i1
      %and3A_141 = arith.andi %ne3A_140, %ne3A_136 : i1
      %add3A_142 = arith.addi %rem3A_134, %select_n3A_133 : i32
      %select_n3A_143 = arith.select %and3A_141, %add3A_142, %rem3A_134 : i32
      %mul3A_144 = arith.constant 16 : i32
      %mul3A_145 = arith.muli %select_n3A_143, %mul3A_144 : i32
      %swap3A = arith.index_cast %select_n3A_128 : i32 to index
      %swap3A_146 = arith.index_cast %mul3A_145 : i32 to index
      %swap3A_147 = tpu.vector_load %arg10[%swap3A, %swap3A_146] {strides = array<i32>} : memref<64x128xf32, #tpu.memory_space<vmem>>, vector<1x16xf32>,
      %swap3A_148 = vector.shape_cast %swap3A_147 : vector<1x16xf32> to vector<16xf32>
      %swap3A_149 = vector.shape_cast %broadcast_in_dim3A_9 : vector<16xf32> to vector<1x16xf32>
      tpu.vector_store %arg10[%swap3A, %swap3A_146], %swap3A_149 {strides = array<i32>} : memref<64x128xf32, #tpu.memory_space<vmem>>, vector<1x16xf32>,
      %scan3A_150 = arith.constant 0 : i32
      scf.yield %scan3A_150 : i32
    }
    %scan3A_15 = arith.constant 512 : i32
    %mul3A_16 = arith.constant 640 : i32
    %mul3A_17 = arith.muli %arg1, %mul3A_16 : i32
    %scan3A_18 = arith.constant 0 : i32
    %scan3A_19 = arith.constant 0 : i32
    %scan3A_20 = arith.constant 10 : i32
    %scan3A_21 = arith.addi %scan3A_19, %scan3A_20 : i32
    %scan3A_22 = arith.constant 1 : i32
    %scan3A_23 = scf.for %scan3A_103 = %scan3A_19 to %scan3A_21 step %scan3A_22 iter_args(%scan3A_104 = %scan3A_18) -> (i32)  : i32 {
      %mul3A_105 = arith.constant 64 : i32
      %mul3A_106 = arith.muli %scan3A_103, %mul3A_105 : i32
      %add3A_107 = arith.addi %mul3A_17, %mul3A_106 : i32
      "tpu.region"() ({
        %run_scoped3A = tpu.sem_alloc : memref<!tpu.dma_semaphore, #tpu.memory_space<semaphore_mem>>
        %dma_start3A_109 = arith.constant 0 : i32
        %dma_start3A_110 = tpu.memref_slice %arg12[%add3A_107, %dma_start3A_109] : memref<10240x128xf32, #tpu.memory_space<vmem_shared>> -> memref<64x128xf32, #tpu.memory_space<vmem_shared>>
        %dma_start3A_111 = arith.constant 0 : i32
        %dma_start3A_112 = tpu.memref_slice %arg12[%add3A_107, %dma_start3A_111] : memref<10240x128xf32, #tpu.memory_space<vmem_shared>> -> memref<64x128xf32, #tpu.memory_space<vmem_shared>>
        tpu.enqueue_dma source(%arg10 : memref<64x128xf32, #tpu.memory_space<vmem>>) target(%dma_start3A_112 : memref<64x128xf32, #tpu.memory_space<vmem_shared>>) target_semaphore(%run_scoped3A : memref<!tpu.dma_semaphore, #tpu.memory_space<semaphore_mem>>)
        %dma_wait3A_113 = arith.constant 0 : i32
        %dma_wait3A_114 = tpu.memref_slice %arg12[%add3A_107, %dma_wait3A_113] : memref<10240x128xf32, #tpu.memory_space<vmem_shared>> -> memref<64x128xf32, #tpu.memory_space<vmem_shared>>
        %dma_wait3A_115 = arith.constant 0 : i32
        %dma_wait3A_116 = tpu.memref_slice %arg12[%add3A_107, %dma_wait3A_115] : memref<10240x128xf32, #tpu.memory_space<vmem_shared>> -> memref<64x128xf32, #tpu.memory_space<vmem_shared>>
        tpu.wait_dma2 semaphore(%run_scoped3A : memref<!tpu.dma_semaphore, #tpu.memory_space<semaphore_mem>>) src(%arg10 : memref<64x128xf32, #tpu.memory_space<vmem>>) dst(%dma_wait3A_116 : memref<64x128xf32, #tpu.memory_space<vmem_shared>>)
        tpu.yield
      }) : () -> ()
      %scan3A_108 = arith.constant 0 : i32
      scf.yield %scan3A_108 : i32
    }
    %scan3A_24 = arith.constant 10 : i32
    %barrier3A = arith.constant 0 : index
    tpu.barrier barrier_id(%barrier3A)
    %add3A_25 = arith.constant 0 : i32
    %add3A_26 = arith.addi %select_n3A_8, %add3A_25 : i32
    %dma_start3A = tpu.memref_slice %arg3[%add3A_26] : memref<323584xi32, #tpu.memory_space<hbm>> -> memref<64xi32, #tpu.memory_space<hbm>>
    %dma_start3A_27 = tpu.memref_slice %arg3[%add3A_26] : memref<323584xi32, #tpu.memory_space<hbm>> -> memref<64xi32, #tpu.memory_space<hbm>>
    tpu.enqueue_dma source(%dma_start3A_27 : memref<64xi32, #tpu.memory_space<hbm>>) target(%arg6 : memref<64xi32, #tpu.memory_space<vmem>>) target_semaphore(%arg13 : memref<!tpu.dma_semaphore, #tpu.memory_space<semaphore_mem>>)
    %add3A_28 = arith.constant 0 : i32
    %add3A_29 = arith.addi %select_n3A_8, %add3A_28 : i32
    %dma_start3A_30 = tpu.memref_slice %arg4[%add3A_29] : memref<323584xi32, #tpu.memory_space<hbm>> -> memref<64xi32, #tpu.memory_space<hbm>>
    %dma_start3A_31 = tpu.memref_slice %arg4[%add3A_29] : memref<323584xi32, #tpu.memory_space<hbm>> -> memref<64xi32, #tpu.memory_space<hbm>>
    tpu.enqueue_dma source(%dma_start3A_31 : memref<64xi32, #tpu.memory_space<hbm>>) target(%arg8 : memref<64xi32, #tpu.memory_space<vmem>>) target_semaphore(%arg13 : memref<!tpu.dma_semaphore, #tpu.memory_space<semaphore_mem>>)
    %add3A_32 = arith.constant 64 : i32
    %add3A_33 = arith.addi %select_n3A_8, %add3A_32 : i32
    %dma_start3A_34 = tpu.memref_slice %arg3[%add3A_33] : memref<323584xi32, #tpu.memory_space<hbm>> -> memref<64xi32, #tpu.memory_space<hbm>>
    %dma_start3A_35 = tpu.memref_slice %arg3[%add3A_33] : memref<323584xi32, #tpu.memory_space<hbm>> -> memref<64xi32, #tpu.memory_space<hbm>>
    tpu.enqueue_dma source(%dma_start3A_35 : memref<64xi32, #tpu.memory_space<hbm>>) target(%arg7 : memref<64xi32, #tpu.memory_space<vmem>>) target_semaphore(%arg14 : memref<!tpu.dma_semaphore, #tpu.memory_space<semaphore_mem>>)
    %add3A_36 = arith.constant 64 : i32
    %add3A_37 = arith.addi %select_n3A_8, %add3A_36 : i32
    %dma_start3A_38 = tpu.memref_slice %arg4[%add3A_37] : memref<323584xi32, #tpu.memory_space<hbm>> -> memref<64xi32, #tpu.memory_space<hbm>>
    %dma_start3A_39 = tpu.memref_slice %arg4[%add3A_37] : memref<323584xi32, #tpu.memory_space<hbm>> -> memref<64xi32, #tpu.memory_space<hbm>>
    tpu.enqueue_dma source(%dma_start3A_39 : memref<64xi32, #tpu.memory_space<hbm>>) target(%arg9 : memref<64xi32, #tpu.memory_space<vmem>>) target_semaphore(%arg14 : memref<!tpu.dma_semaphore, #tpu.memory_space<semaphore_mem>>)
    %add3A_40 = arith.constant 0 : i32
    %add3A_41 = arith.addi %select_n3A_8, %add3A_40 : i32
    %dma_wait3A = tpu.memref_slice %arg3[%add3A_41] : memref<323584xi32, #tpu.memory_space<hbm>> -> memref<64xi32, #tpu.memory_space<hbm>>
    %dma_wait3A_42 = tpu.memref_slice %arg3[%add3A_41] : memref<323584xi32, #tpu.memory_space<hbm>> -> memref<64xi32, #tpu.memory_space<hbm>>
    tpu.wait_dma2 semaphore(%arg13 : memref<!tpu.dma_semaphore, #tpu.memory_space<semaphore_mem>>) src(%dma_wait3A_42 : memref<64xi32, #tpu.memory_space<hbm>>) dst(%arg6 : memref<64xi32, #tpu.memory_space<vmem>>)
    %add3A_43 = arith.constant 0 : i32
    %add3A_44 = arith.addi %select_n3A_8, %add3A_43 : i32
    %dma_wait3A_45 = tpu.memref_slice %arg4[%add3A_44] : memref<323584xi32, #tpu.memory_space<hbm>> -> memref<64xi32, #tpu.memory_space<hbm>>
    %dma_wait3A_46 = tpu.memref_slice %arg4[%add3A_44] : memref<323584xi32, #tpu.memory_space<hbm>> -> memref<64xi32, #tpu.memory_space<hbm>>
    tpu.wait_dma2 semaphore(%arg13 : memref<!tpu.dma_semaphore, #tpu.memory_space<semaphore_mem>>) src(%dma_wait3A_46 : memref<64xi32, #tpu.memory_space<hbm>>) dst(%arg8 : memref<64xi32, #tpu.memory_space<vmem>>)
    %dma_start3A_47 = arith.constant 0 : i32
    %dma_start3A_48 = arith.constant 0 : i32
    %dma_start3A_49 = tpu.memref_slice %arg2[%dma_start3A_47, %dma_start3A_48] : memref<10000x128xf32, #tpu.memory_space<hbm>> -> memref<10000x128xf32, #tpu.memory_space<hbm>>
    tpu.enqueue_indirect_dma source(%dma_start3A_49 : memref<10000x128xf32, #tpu.memory_space<hbm>>) target(%arg10 : memref<64x128xf32, #tpu.memory_space<vmem>>) offsets(%arg6 : memref<64xi32, #tpu.memory_space<vmem>>) semaphore(%arg15 : memref<!tpu.dma_semaphore, #tpu.memory_space<semaphore_mem>>)
    %jit3A_50 = arith.constant 2 : i32
    %div3A = arith.divsi %select_n3A, %jit3A_50 : i32
    %sign3A = arith.constant 0 : i32
    %sign3A_51 = arith.cmpi sgt, %select_n3A, %sign3A : i32
    %sign3A_52 = arith.extui %sign3A_51 : i1 to i32
    %sign3A_53 = arith.constant 0 : i32
    %sign3A_54 = arith.cmpi slt, %select_n3A, %sign3A_53 : i32
    %sign3A_55 = arith.extui %sign3A_54 : i1 to i32
    %sign3A_56 = arith.subi %sign3A_52, %sign3A_55 : i32
    %sign3A_57 = arith.constant 0 : i32
    %sign3A_58 = arith.cmpi sgt, %jit3A_50, %sign3A_57 : i32
    %sign3A_59 = arith.extui %sign3A_58 : i1 to i32
    %sign3A_60 = arith.constant 0 : i32
    %sign3A_61 = arith.cmpi slt, %jit3A_50, %sign3A_60 : i32
    %sign3A_62 = arith.extui %sign3A_61 : i1 to i32
    %sign3A_63 = arith.subi %sign3A_59, %sign3A_62 : i32
    %ne3A = arith.cmpi ne, %sign3A_56, %sign3A_63 : i32
    %rem3A = arith.remsi %select_n3A, %jit3A_50 : i32
    %ne3A_64 = arith.constant 0 : i32
    %ne3A_65 = arith.cmpi ne, %rem3A, %ne3A_64 : i32
    %and3A = arith.andi %ne3A, %ne3A_65 : i1
    %sub3A = arith.constant 1 : i32
    %sub3A_66 = arith.subi %div3A, %sub3A : i32
    %select_n3A_67 = arith.select %and3A, %sub3A_66, %div3A : i32
    %sub3A_68 = arith.constant 1 : i32
    %sub3A_69 = arith.subi %select_n3A_67, %sub3A_68 : i32
    %while3A = arith.constant 0 : i32
    %while3A_70 = arith.constant 0 : i32
    %while3A_71 = arith.subi %sub3A_69, %while3A : i32
    %while3A_72 = arith.addi %while3A, %while3A_71 : i32
    %while3A_73 = arith.constant 1 : i32
    %while3A_74 = arith.divsi %while3A_71, %while3A_73 : i32
    %while3A_75 = arith.muli %while3A_74, %while3A_73 : i32
    %while3A_76 = arith.addi %while3A, %while3A_75 : i32
    %while3A_77 = arith.constant 1 : i32
    %while3A_78 = scf.for %while3A_103 = %while3A to %while3A_76 step %while3A_77 iter_args(%while3A_104 = %while3A_70) -> (i32)  : i32 {
      %mul3A_105 = arith.constant 2 : i32
      %mul3A_106 = arith.muli %while3A_103, %mul3A_105 : i32
      %add3A_107 = arith.constant 0 : i32
      %add3A_108 = arith.addi %mul3A_106, %add3A_107 : i32
      %add3A_109 = arith.constant 2 : i32
      %add3A_110 = arith.addi %add3A_108, %add3A_109 : i32
      %sub3A_111 = arith.constant 1 : i32
      %sub3A_112 = arith.subi %add3A_110, %sub3A_111 : i32
      %mul3A_113 = arith.constant 64 : i32
      %mul3A_114 = arith.muli %sub3A_112, %mul3A_113 : i32
      %add3A_115 = arith.addi %select_n3A_8, %mul3A_114 : i32
      %dma_wait3A_116 = tpu.memref_slice %arg3[%add3A_115] : memref<323584xi32, #tpu.memory_space<hbm>> -> memref<64xi32, #tpu.memory_space<hbm>>
      %dma_wait3A_117 = tpu.memref_slice %arg3[%add3A_115] : memref<323584xi32, #tpu.memory_space<hbm>> -> memref<64xi32, #tpu.memory_space<hbm>>
      tpu.wait_dma2 semaphore(%arg14 : memref<!tpu.dma_semaphore, #tpu.memory_space<semaphore_mem>>) src(%dma_wait3A_117 : memref<64xi32, #tpu.memory_space<hbm>>) dst(%arg7 : memref<64xi32, #tpu.memory_space<vmem>>)
      %mul3A_118 = arith.constant 64 : i32
      %mul3A_119 = arith.muli %sub3A_112, %mul3A_118 : i32
      %add3A_120 = arith.addi %select_n3A_8, %mul3A_119 : i32
      %dma_wait3A_121 = tpu.memref_slice %arg4[%add3A_120] : memref<323584xi32, #tpu.memory_space<hbm>> -> memref<64xi32, #tpu.memory_space<hbm>>
      %dma_wait3A_122 = tpu.memref_slice %arg4[%add3A_120] : memref<323584xi32, #tpu.memory_space<hbm>> -> memref<64xi32, #tpu.memory_space<hbm>>
      tpu.wait_dma2 semaphore(%arg14 : memref<!tpu.dma_semaphore, #tpu.memory_space<semaphore_mem>>) src(%dma_wait3A_122 : memref<64xi32, #tpu.memory_space<hbm>>) dst(%arg9 : memref<64xi32, #tpu.memory_space<vmem>>)
      %dma_start3A_123 = arith.constant 0 : i32
      %dma_start3A_124 = arith.constant 0 : i32
      %dma_start3A_125 = tpu.memref_slice %arg2[%dma_start3A_123, %dma_start3A_124] : memref<10000x128xf32, #tpu.memory_space<hbm>> -> memref<10000x128xf32, #tpu.memory_space<hbm>>
      tpu.enqueue_indirect_dma source(%dma_start3A_125 : memref<10000x128xf32, #tpu.memory_space<hbm>>) target(%arg11 : memref<64x128xf32, #tpu.memory_space<vmem>>) offsets(%arg7 : memref<64xi32, #tpu.memory_space<vmem>>) semaphore(%arg16 : memref<!tpu.dma_semaphore, #tpu.memory_space<semaphore_mem>>)
      %dma_wait3A_126 = arith.constant 0 : i32
      %dma_wait3A_127 = arith.constant 0 : i32
      %dma_wait3A_128 = tpu.memref_slice %arg2[%dma_wait3A_126, %dma_wait3A_127] : memref<10000x128xf32, #tpu.memory_space<hbm>> -> memref<10000x128xf32, #tpu.memory_space<hbm>>
      tpu.wait_indirect_dma semaphore(%arg15 : memref<!tpu.dma_semaphore, #tpu.memory_space<semaphore_mem>>) src(%dma_wait3A_128 : memref<10000x128xf32, #tpu.memory_space<hbm>>) dst(%arg10 : memref<64x128xf32, #tpu.memory_space<vmem>>)
      "tpu.region"() ({
        %run_scoped3A = tpu.sem_alloc : memref<!tpu.dma_semaphore, #tpu.memory_space<semaphore_mem>>
        %dma_start3A_176 = arith.constant 0 : i32
        %dma_start3A_177 = arith.constant 0 : i32
        %dma_start3A_178 = tpu.memref_slice %arg12[%dma_start3A_176, %dma_start3A_177] : memref<10240x128xf32, #tpu.memory_space<vmem_shared>> -> memref<10240x128xf32, #tpu.memory_space<vmem_shared>>
        tpu.enqueue_indirect_dma source(%arg10 : memref<64x128xf32, #tpu.memory_space<vmem>>) target(%dma_start3A_178 : memref<10240x128xf32, #tpu.memory_space<vmem_shared>>) offsets(%arg8 : memref<64xi32, #tpu.memory_space<vmem>>) semaphore(%run_scoped3A : memref<!tpu.dma_semaphore, #tpu.memory_space<semaphore_mem>>) {add = true}
        %dma_wait3A_179 = arith.constant 0 : i32
        %dma_wait3A_180 = arith.constant 0 : i32
        %dma_wait3A_181 = tpu.memref_slice %arg12[%dma_wait3A_179, %dma_wait3A_180] : memref<10240x128xf32, #tpu.memory_space<vmem_shared>> -> memref<10240x128xf32, #tpu.memory_space<vmem_shared>>
        tpu.wait_indirect_dma semaphore(%run_scoped3A : memref<!tpu.dma_semaphore, #tpu.memory_space<semaphore_mem>>) src(%arg10 : memref<64x128xf32, #tpu.memory_space<vmem>>) dst(%dma_wait3A_181 : memref<10240x128xf32, #tpu.memory_space<vmem_shared>>)
        tpu.yield
      }) : () -> ()
      %add3A_129 = arith.constant 2 : i32
      %add3A_130 = arith.addi %add3A_108, %add3A_129 : i32
      %mul3A_131 = arith.constant 64 : i32
      %mul3A_132 = arith.muli %add3A_130, %mul3A_131 : i32
      %add3A_133 = arith.addi %select_n3A_8, %mul3A_132 : i32
      %dma_start3A_134 = tpu.memref_slice %arg3[%add3A_133] : memref<323584xi32, #tpu.memory_space<hbm>> -> memref<64xi32, #tpu.memory_space<hbm>>
      %dma_start3A_135 = tpu.memref_slice %arg3[%add3A_133] : memref<323584xi32, #tpu.memory_space<hbm>> -> memref<64xi32, #tpu.memory_space<hbm>>
      tpu.enqueue_dma source(%dma_start3A_135 : memref<64xi32, #tpu.memory_space<hbm>>) target(%arg6 : memref<64xi32, #tpu.memory_space<vmem>>) target_semaphore(%arg13 : memref<!tpu.dma_semaphore, #tpu.memory_space<semaphore_mem>>)
      %mul3A_136 = arith.constant 64 : i32
      %mul3A_137 = arith.muli %add3A_130, %mul3A_136 : i32
      %add3A_138 = arith.addi %select_n3A_8, %mul3A_137 : i32
      %dma_start3A_139 = tpu.memref_slice %arg4[%add3A_138] : memref<323584xi32, #tpu.memory_space<hbm>> -> memref<64xi32, #tpu.memory_space<hbm>>
      %dma_start3A_140 = tpu.memref_slice %arg4[%add3A_138] : memref<323584xi32, #tpu.memory_space<hbm>> -> memref<64xi32, #tpu.memory_space<hbm>>
      tpu.enqueue_dma source(%dma_start3A_140 : memref<64xi32, #tpu.memory_space<hbm>>) target(%arg8 : memref<64xi32, #tpu.memory_space<vmem>>) target_semaphore(%arg13 : memref<!tpu.dma_semaphore, #tpu.memory_space<semaphore_mem>>)
      %add3A_141 = arith.constant 1 : i32
      %add3A_142 = arith.addi %mul3A_106, %add3A_141 : i32
      %add3A_143 = arith.constant 2 : i32
      %add3A_144 = arith.addi %add3A_142, %add3A_143 : i32
      %sub3A_145 = arith.constant 1 : i32
      %sub3A_146 = arith.subi %add3A_144, %sub3A_145 : i32
      %mul3A_147 = arith.constant 64 : i32
      %mul3A_148 = arith.muli %sub3A_146, %mul3A_147 : i32
      %add3A_149 = arith.addi %select_n3A_8, %mul3A_148 : i32
      %dma_wait3A_150 = tpu.memref_slice %arg3[%add3A_149] : memref<323584xi32, #tpu.memory_space<hbm>> -> memref<64xi32, #tpu.memory_space<hbm>>
      %dma_wait3A_151 = tpu.memref_slice %arg3[%add3A_149] : memref<323584xi32, #tpu.memory_space<hbm>> -> memref<64xi32, #tpu.memory_space<hbm>>
      tpu.wait_dma2 semaphore(%arg13 : memref<!tpu.dma_semaphore, #tpu.memory_space<semaphore_mem>>) src(%dma_wait3A_151 : memref<64xi32, #tpu.memory_space<hbm>>) dst(%arg6 : memref<64xi32, #tpu.memory_space<vmem>>)
      %mul3A_152 = arith.constant 64 : i32
      %mul3A_153 = arith.muli %sub3A_146, %mul3A_152 : i32
      %add3A_154 = arith.addi %select_n3A_8, %mul3A_153 : i32
      %dma_wait3A_155 = tpu.memref_slice %arg4[%add3A_154] : memref<323584xi32, #tpu.memory_space<hbm>> -> memref<64xi32, #tpu.memory_space<hbm>>
      %dma_wait3A_156 = tpu.memref_slice %arg4[%add3A_154] : memref<323584xi32, #tpu.memory_space<hbm>> -> memref<64xi32, #tpu.memory_space<hbm>>
      tpu.wait_dma2 semaphore(%arg13 : memref<!tpu.dma_semaphore, #tpu.memory_space<semaphore_mem>>) src(%dma_wait3A_156 : memref<64xi32, #tpu.memory_space<hbm>>) dst(%arg8 : memref<64xi32, #tpu.memory_space<vmem>>)
      %dma_start3A_157 = arith.constant 0 : i32
      %dma_start3A_158 = arith.constant 0 : i32
      %dma_start3A_159 = tpu.memref_slice %arg2[%dma_start3A_157, %dma_start3A_158] : memref<10000x128xf32, #tpu.memory_space<hbm>> -> memref<10000x128xf32, #tpu.memory_space<hbm>>
      tpu.enqueue_indirect_dma source(%dma_start3A_159 : memref<10000x128xf32, #tpu.memory_space<hbm>>) target(%arg10 : memref<64x128xf32, #tpu.memory_space<vmem>>) offsets(%arg6 : memref<64xi32, #tpu.memory_space<vmem>>) semaphore(%arg15 : memref<!tpu.dma_semaphore, #tpu.memory_space<semaphore_mem>>)
      %dma_wait3A_160 = arith.constant 0 : i32
      %dma_wait3A_161 = arith.constant 0 : i32
      %dma_wait3A_162 = tpu.memref_slice %arg2[%dma_wait3A_160, %dma_wait3A_161] : memref<10000x128xf32, #tpu.memory_space<hbm>> -> memref<10000x128xf32, #tpu.memory_space<hbm>>
      tpu.wait_indirect_dma semaphore(%arg16 : memref<!tpu.dma_semaphore, #tpu.memory_space<semaphore_mem>>) src(%dma_wait3A_162 : memref<10000x128xf32, #tpu.memory_space<hbm>>) dst(%arg11 : memref<64x128xf32, #tpu.memory_space<vmem>>)
      "tpu.region"() ({
        %run_scoped3A = tpu.sem_alloc : memref<!tpu.dma_semaphore, #tpu.memory_space<semaphore_mem>>
        %dma_start3A_176 = arith.constant 0 : i32
        %dma_start3A_177 = arith.constant 0 : i32
        %dma_start3A_178 = tpu.memref_slice %arg12[%dma_start3A_176, %dma_start3A_177] : memref<10240x128xf32, #tpu.memory_space<vmem_shared>> -> memref<10240x128xf32, #tpu.memory_space<vmem_shared>>
        tpu.enqueue_indirect_dma source(%arg11 : memref<64x128xf32, #tpu.memory_space<vmem>>) target(%dma_start3A_178 : memref<10240x128xf32, #tpu.memory_space<vmem_shared>>) offsets(%arg9 : memref<64xi32, #tpu.memory_space<vmem>>) semaphore(%run_scoped3A : memref<!tpu.dma_semaphore, #tpu.memory_space<semaphore_mem>>) {add = true}
        %dma_wait3A_179 = arith.constant 0 : i32
        %dma_wait3A_180 = arith.constant 0 : i32
        %dma_wait3A_181 = tpu.memref_slice %arg12[%dma_wait3A_179, %dma_wait3A_180] : memref<10240x128xf32, #tpu.memory_space<vmem_shared>> -> memref<10240x128xf32, #tpu.memory_space<vmem_shared>>
        tpu.wait_indirect_dma semaphore(%run_scoped3A : memref<!tpu.dma_semaphore, #tpu.memory_space<semaphore_mem>>) src(%arg11 : memref<64x128xf32, #tpu.memory_space<vmem>>) dst(%dma_wait3A_181 : memref<10240x128xf32, #tpu.memory_space<vmem_shared>>)
        tpu.yield
      }) : () -> ()
      %add3A_163 = arith.constant 2 : i32
      %add3A_164 = arith.addi %add3A_142, %add3A_163 : i32
      %mul3A_165 = arith.constant 64 : i32
      %mul3A_166 = arith.muli %add3A_164, %mul3A_165 : i32
      %add3A_167 = arith.addi %select_n3A_8, %mul3A_166 : i32
      %dma_start3A_168 = tpu.memref_slice %arg3[%add3A_167] : memref<323584xi32, #tpu.memory_space<hbm>> -> memref<64xi32, #tpu.memory_space<hbm>>
      %dma_start3A_169 = tpu.memref_slice %arg3[%add3A_167] : memref<323584xi32, #tpu.memory_space<hbm>> -> memref<64xi32, #tpu.memory_space<hbm>>
      tpu.enqueue_dma source(%dma_start3A_169 : memref<64xi32, #tpu.memory_space<hbm>>) target(%arg7 : memref<64xi32, #tpu.memory_space<vmem>>) target_semaphore(%arg14 : memref<!tpu.dma_semaphore, #tpu.memory_space<semaphore_mem>>)
      %mul3A_170 = arith.constant 64 : i32
      %mul3A_171 = arith.muli %add3A_164, %mul3A_170 : i32
      %add3A_172 = arith.addi %select_n3A_8, %mul3A_171 : i32
      %dma_start3A_173 = tpu.memref_slice %arg4[%add3A_172] : memref<323584xi32, #tpu.memory_space<hbm>> -> memref<64xi32, #tpu.memory_space<hbm>>
      %dma_start3A_174 = tpu.memref_slice %arg4[%add3A_172] : memref<323584xi32, #tpu.memory_space<hbm>> -> memref<64xi32, #tpu.memory_space<hbm>>
      tpu.enqueue_dma source(%dma_start3A_174 : memref<64xi32, #tpu.memory_space<hbm>>) target(%arg9 : memref<64xi32, #tpu.memory_space<vmem>>) target_semaphore(%arg14 : memref<!tpu.dma_semaphore, #tpu.memory_space<semaphore_mem>>)
      %while3A_175 = arith.constant 0 : i32
      scf.yield %while3A_175 : i32
    }
    %while3A_79 = arith.constant 1 : i32
    %while3A_80 = scf.for %while3A_103 = %while3A_76 to %while3A_72 step %while3A_79 iter_args(%while3A_104 = %while3A_78) -> (i32)  : i32 {
      %mul3A_105 = arith.constant 2 : i32
      %mul3A_106 = arith.muli %while3A_103, %mul3A_105 : i32
      %add3A_107 = arith.constant 0 : i32
      %add3A_108 = arith.addi %mul3A_106, %add3A_107 : i32
      %add3A_109 = arith.constant 2 : i32
      %add3A_110 = arith.addi %add3A_108, %add3A_109 : i32
      %sub3A_111 = arith.constant 1 : i32
      %sub3A_112 = arith.subi %add3A_110, %sub3A_111 : i32
      %mul3A_113 = arith.constant 64 : i32
      %mul3A_114 = arith.muli %sub3A_112, %mul3A_113 : i32
      %add3A_115 = arith.addi %select_n3A_8, %mul3A_114 : i32
      %dma_wait3A_116 = tpu.memref_slice %arg3[%add3A_115] : memref<323584xi32, #tpu.memory_space<hbm>> -> memref<64xi32, #tpu.memory_space<hbm>>
      %dma_wait3A_117 = tpu.memref_slice %arg3[%add3A_115] : memref<323584xi32, #tpu.memory_space<hbm>> -> memref<64xi32, #tpu.memory_space<hbm>>
      tpu.wait_dma2 semaphore(%arg14 : memref<!tpu.dma_semaphore, #tpu.memory_space<semaphore_mem>>) src(%dma_wait3A_117 : memref<64xi32, #tpu.memory_space<hbm>>) dst(%arg7 : memref<64xi32, #tpu.memory_space<vmem>>)
      %mul3A_118 = arith.constant 64 : i32
      %mul3A_119 = arith.muli %sub3A_112, %mul3A_118 : i32
      %add3A_120 = arith.addi %select_n3A_8, %mul3A_119 : i32
      %dma_wait3A_121 = tpu.memref_slice %arg4[%add3A_120] : memref<323584xi32, #tpu.memory_space<hbm>> -> memref<64xi32, #tpu.memory_space<hbm>>
      %dma_wait3A_122 = tpu.memref_slice %arg4[%add3A_120] : memref<323584xi32, #tpu.memory_space<hbm>> -> memref<64xi32, #tpu.memory_space<hbm>>
      tpu.wait_dma2 semaphore(%arg14 : memref<!tpu.dma_semaphore, #tpu.memory_space<semaphore_mem>>) src(%dma_wait3A_122 : memref<64xi32, #tpu.memory_space<hbm>>) dst(%arg9 : memref<64xi32, #tpu.memory_space<vmem>>)
      %dma_start3A_123 = arith.constant 0 : i32
      %dma_start3A_124 = arith.constant 0 : i32
      %dma_start3A_125 = tpu.memref_slice %arg2[%dma_start3A_123, %dma_start3A_124] : memref<10000x128xf32, #tpu.memory_space<hbm>> -> memref<10000x128xf32, #tpu.memory_space<hbm>>
      tpu.enqueue_indirect_dma source(%dma_start3A_125 : memref<10000x128xf32, #tpu.memory_space<hbm>>) target(%arg11 : memref<64x128xf32, #tpu.memory_space<vmem>>) offsets(%arg7 : memref<64xi32, #tpu.memory_space<vmem>>) semaphore(%arg16 : memref<!tpu.dma_semaphore, #tpu.memory_space<semaphore_mem>>)
      %dma_wait3A_126 = arith.constant 0 : i32
      %dma_wait3A_127 = arith.constant 0 : i32
      %dma_wait3A_128 = tpu.memref_slice %arg2[%dma_wait3A_126, %dma_wait3A_127] : memref<10000x128xf32, #tpu.memory_space<hbm>> -> memref<10000x128xf32, #tpu.memory_space<hbm>>
      tpu.wait_indirect_dma semaphore(%arg15 : memref<!tpu.dma_semaphore, #tpu.memory_space<semaphore_mem>>) src(%dma_wait3A_128 : memref<10000x128xf32, #tpu.memory_space<hbm>>) dst(%arg10 : memref<64x128xf32, #tpu.memory_space<vmem>>)
      "tpu.region"() ({
        %run_scoped3A = tpu.sem_alloc : memref<!tpu.dma_semaphore, #tpu.memory_space<semaphore_mem>>
        %dma_start3A_176 = arith.constant 0 : i32
        %dma_start3A_177 = arith.constant 0 : i32
        %dma_start3A_178 = tpu.memref_slice %arg12[%dma_start3A_176, %dma_start3A_177] : memref<10240x128xf32, #tpu.memory_space<vmem_shared>> -> memref<10240x128xf32, #tpu.memory_space<vmem_shared>>
        tpu.enqueue_indirect_dma source(%arg10 : memref<64x128xf32, #tpu.memory_space<vmem>>) target(%dma_start3A_178 : memref<10240x128xf32, #tpu.memory_space<vmem_shared>>) offsets(%arg8 : memref<64xi32, #tpu.memory_space<vmem>>) semaphore(%run_scoped3A : memref<!tpu.dma_semaphore, #tpu.memory_space<semaphore_mem>>) {add = true}
        %dma_wait3A_179 = arith.constant 0 : i32
        %dma_wait3A_180 = arith.constant 0 : i32
        %dma_wait3A_181 = tpu.memref_slice %arg12[%dma_wait3A_179, %dma_wait3A_180] : memref<10240x128xf32, #tpu.memory_space<vmem_shared>> -> memref<10240x128xf32, #tpu.memory_space<vmem_shared>>
        tpu.wait_indirect_dma semaphore(%run_scoped3A : memref<!tpu.dma_semaphore, #tpu.memory_space<semaphore_mem>>) src(%arg10 : memref<64x128xf32, #tpu.memory_space<vmem>>) dst(%dma_wait3A_181 : memref<10240x128xf32, #tpu.memory_space<vmem_shared>>)
        tpu.yield
      }) : () -> ()
      %add3A_129 = arith.constant 2 : i32
      %add3A_130 = arith.addi %add3A_108, %add3A_129 : i32
      %mul3A_131 = arith.constant 64 : i32
      %mul3A_132 = arith.muli %add3A_130, %mul3A_131 : i32
      %add3A_133 = arith.addi %select_n3A_8, %mul3A_132 : i32
      %dma_start3A_134 = tpu.memref_slice %arg3[%add3A_133] : memref<323584xi32, #tpu.memory_space<hbm>> -> memref<64xi32, #tpu.memory_space<hbm>>
      %dma_start3A_135 = tpu.memref_slice %arg3[%add3A_133] : memref<323584xi32, #tpu.memory_space<hbm>> -> memref<64xi32, #tpu.memory_space<hbm>>
      tpu.enqueue_dma source(%dma_start3A_135 : memref<64xi32, #tpu.memory_space<hbm>>) target(%arg6 : memref<64xi32, #tpu.memory_space<vmem>>) target_semaphore(%arg13 : memref<!tpu.dma_semaphore, #tpu.memory_space<semaphore_mem>>)
      %mul3A_136 = arith.constant 64 : i32
      %mul3A_137 = arith.muli %add3A_130, %mul3A_136 : i32
      %add3A_138 = arith.addi %select_n3A_8, %mul3A_137 : i32
      %dma_start3A_139 = tpu.memref_slice %arg4[%add3A_138] : memref<323584xi32, #tpu.memory_space<hbm>> -> memref<64xi32, #tpu.memory_space<hbm>>
      %dma_start3A_140 = tpu.memref_slice %arg4[%add3A_138] : memref<323584xi32, #tpu.memory_space<hbm>> -> memref<64xi32, #tpu.memory_space<hbm>>
      tpu.enqueue_dma source(%dma_start3A_140 : memref<64xi32, #tpu.memory_space<hbm>>) target(%arg8 : memref<64xi32, #tpu.memory_space<vmem>>) target_semaphore(%arg13 : memref<!tpu.dma_semaphore, #tpu.memory_space<semaphore_mem>>)
      %add3A_141 = arith.constant 1 : i32
      %add3A_142 = arith.addi %mul3A_106, %add3A_141 : i32
      %add3A_143 = arith.constant 2 : i32
      %add3A_144 = arith.addi %add3A_142, %add3A_143 : i32
      %sub3A_145 = arith.constant 1 : i32
      %sub3A_146 = arith.subi %add3A_144, %sub3A_145 : i32
      %mul3A_147 = arith.constant 64 : i32
      %mul3A_148 = arith.muli %sub3A_146, %mul3A_147 : i32
      %add3A_149 = arith.addi %select_n3A_8, %mul3A_148 : i32
      %dma_wait3A_150 = tpu.memref_slice %arg3[%add3A_149] : memref<323584xi32, #tpu.memory_space<hbm>> -> memref<64xi32, #tpu.memory_space<hbm>>
      %dma_wait3A_151 = tpu.memref_slice %arg3[%add3A_149] : memref<323584xi32, #tpu.memory_space<hbm>> -> memref<64xi32, #tpu.memory_space<hbm>>
      tpu.wait_dma2 semaphore(%arg13 : memref<!tpu.dma_semaphore, #tpu.memory_space<semaphore_mem>>) src(%dma_wait3A_151 : memref<64xi32, #tpu.memory_space<hbm>>) dst(%arg6 : memref<64xi32, #tpu.memory_space<vmem>>)
      %mul3A_152 = arith.constant 64 : i32
      %mul3A_153 = arith.muli %sub3A_146, %mul3A_152 : i32
      %add3A_154 = arith.addi %select_n3A_8, %mul3A_153 : i32
      %dma_wait3A_155 = tpu.memref_slice %arg4[%add3A_154] : memref<323584xi32, #tpu.memory_space<hbm>> -> memref<64xi32, #tpu.memory_space<hbm>>
      %dma_wait3A_156 = tpu.memref_slice %arg4[%add3A_154] : memref<323584xi32, #tpu.memory_space<hbm>> -> memref<64xi32, #tpu.memory_space<hbm>>
      tpu.wait_dma2 semaphore(%arg13 : memref<!tpu.dma_semaphore, #tpu.memory_space<semaphore_mem>>) src(%dma_wait3A_156 : memref<64xi32, #tpu.memory_space<hbm>>) dst(%arg8 : memref<64xi32, #tpu.memory_space<vmem>>)
      %dma_start3A_157 = arith.constant 0 : i32
      %dma_start3A_158 = arith.constant 0 : i32
      %dma_start3A_159 = tpu.memref_slice %arg2[%dma_start3A_157, %dma_start3A_158] : memref<10000x128xf32, #tpu.memory_space<hbm>> -> memref<10000x128xf32, #tpu.memory_space<hbm>>
      tpu.enqueue_indirect_dma source(%dma_start3A_159 : memref<10000x128xf32, #tpu.memory_space<hbm>>) target(%arg10 : memref<64x128xf32, #tpu.memory_space<vmem>>) offsets(%arg6 : memref<64xi32, #tpu.memory_space<vmem>>) semaphore(%arg15 : memref<!tpu.dma_semaphore, #tpu.memory_space<semaphore_mem>>)
      %dma_wait3A_160 = arith.constant 0 : i32
      %dma_wait3A_161 = arith.constant 0 : i32
      %dma_wait3A_162 = tpu.memref_slice %arg2[%dma_wait3A_160, %dma_wait3A_161] : memref<10000x128xf32, #tpu.memory_space<hbm>> -> memref<10000x128xf32, #tpu.memory_space<hbm>>
      tpu.wait_indirect_dma semaphore(%arg16 : memref<!tpu.dma_semaphore, #tpu.memory_space<semaphore_mem>>) src(%dma_wait3A_162 : memref<10000x128xf32, #tpu.memory_space<hbm>>) dst(%arg11 : memref<64x128xf32, #tpu.memory_space<vmem>>)
      "tpu.region"() ({
        %run_scoped3A = tpu.sem_alloc : memref<!tpu.dma_semaphore, #tpu.memory_space<semaphore_mem>>
        %dma_start3A_176 = arith.constant 0 : i32
        %dma_start3A_177 = arith.constant 0 : i32
        %dma_start3A_178 = tpu.memref_slice %arg12[%dma_start3A_176, %dma_start3A_177] : memref<10240x128xf32, #tpu.memory_space<vmem_shared>> -> memref<10240x128xf32, #tpu.memory_space<vmem_shared>>
        tpu.enqueue_indirect_dma source(%arg11 : memref<64x128xf32, #tpu.memory_space<vmem>>) target(%dma_start3A_178 : memref<10240x128xf32, #tpu.memory_space<vmem_shared>>) offsets(%arg9 : memref<64xi32, #tpu.memory_space<vmem>>) semaphore(%run_scoped3A : memref<!tpu.dma_semaphore, #tpu.memory_space<semaphore_mem>>) {add = true}
        %dma_wait3A_179 = arith.constant 0 : i32
        %dma_wait3A_180 = arith.constant 0 : i32
        %dma_wait3A_181 = tpu.memref_slice %arg12[%dma_wait3A_179, %dma_wait3A_180] : memref<10240x128xf32, #tpu.memory_space<vmem_shared>> -> memref<10240x128xf32, #tpu.memory_space<vmem_shared>>
        tpu.wait_indirect_dma semaphore(%run_scoped3A : memref<!tpu.dma_semaphore, #tpu.memory_space<semaphore_mem>>) src(%arg11 : memref<64x128xf32, #tpu.memory_space<vmem>>) dst(%dma_wait3A_181 : memref<10240x128xf32, #tpu.memory_space<vmem_shared>>)
        tpu.yield
      }) : () -> ()
      %add3A_163 = arith.constant 2 : i32
      %add3A_164 = arith.addi %add3A_142, %add3A_163 : i32
      %mul3A_165 = arith.constant 64 : i32
      %mul3A_166 = arith.muli %add3A_164, %mul3A_165 : i32
      %add3A_167 = arith.addi %select_n3A_8, %mul3A_166 : i32
      %dma_start3A_168 = tpu.memref_slice %arg3[%add3A_167] : memref<323584xi32, #tpu.memory_space<hbm>> -> memref<64xi32, #tpu.memory_space<hbm>>
      %dma_start3A_169 = tpu.memref_slice %arg3[%add3A_167] : memref<323584xi32, #tpu.memory_space<hbm>> -> memref<64xi32, #tpu.memory_space<hbm>>
      tpu.enqueue_dma source(%dma_start3A_169 : memref<64xi32, #tpu.memory_space<hbm>>) target(%arg7 : memref<64xi32, #tpu.memory_space<vmem>>) target_semaphore(%arg14 : memref<!tpu.dma_semaphore, #tpu.memory_space<semaphore_mem>>)
      %mul3A_170 = arith.constant 64 : i32
      %mul3A_171 = arith.muli %add3A_164, %mul3A_170 : i32
      %add3A_172 = arith.addi %select_n3A_8, %mul3A_171 : i32
      %dma_start3A_173 = tpu.memref_slice %arg4[%add3A_172] : memref<323584xi32, #tpu.memory_space<hbm>> -> memref<64xi32, #tpu.memory_space<hbm>>
      %dma_start3A_174 = tpu.memref_slice %arg4[%add3A_172] : memref<323584xi32, #tpu.memory_space<hbm>> -> memref<64xi32, #tpu.memory_space<hbm>>
      tpu.enqueue_dma source(%dma_start3A_174 : memref<64xi32, #tpu.memory_space<hbm>>) target(%arg9 : memref<64xi32, #tpu.memory_space<vmem>>) target_semaphore(%arg14 : memref<!tpu.dma_semaphore, #tpu.memory_space<semaphore_mem>>)
      %while3A_175 = arith.constant 0 : i32
      scf.yield %while3A_175 : i32
    }
    %sub3A_81 = arith.constant 1 : i32
    %sub3A_82 = arith.subi %select_n3A, %sub3A_81 : i32
    %mul3A_83 = arith.constant 64 : i32
    %mul3A_84 = arith.muli %sub3A_82, %mul3A_83 : i32
    %add3A_85 = arith.addi %select_n3A_8, %mul3A_84 : i32
    %dma_wait3A_86 = tpu.memref_slice %arg3[%add3A_85] : memref<323584xi32, #tpu.memory_space<hbm>> -> memref<64xi32, #tpu.memory_space<hbm>>
    %dma_wait3A_87 = tpu.memref_slice %arg3[%add3A_85] : memref<323584xi32, #tpu.memory_space<hbm>> -> memref<64xi32, #tpu.memory_space<hbm>>
    tpu.wait_dma2 semaphore(%arg14 : memref<!tpu.dma_semaphore, #tpu.memory_space<semaphore_mem>>) src(%dma_wait3A_87 : memref<64xi32, #tpu.memory_space<hbm>>) dst(%arg7 : memref<64xi32, #tpu.memory_space<vmem>>)
    %mul3A_88 = arith.constant 64 : i32
    %mul3A_89 = arith.muli %sub3A_82, %mul3A_88 : i32
    %add3A_90 = arith.addi %select_n3A_8, %mul3A_89 : i32
    %dma_wait3A_91 = tpu.memref_slice %arg4[%add3A_90] : memref<323584xi32, #tpu.memory_space<hbm>> -> memref<64xi32, #tpu.memory_space<hbm>>
    %dma_wait3A_92 = tpu.memref_slice %arg4[%add3A_90] : memref<323584xi32, #tpu.memory_space<hbm>> -> memref<64xi32, #tpu.memory_space<hbm>>
    tpu.wait_dma2 semaphore(%arg14 : memref<!tpu.dma_semaphore, #tpu.memory_space<semaphore_mem>>) src(%dma_wait3A_92 : memref<64xi32, #tpu.memory_space<hbm>>) dst(%arg9 : memref<64xi32, #tpu.memory_space<vmem>>)
    %dma_start3A_93 = arith.constant 0 : i32
    %dma_start3A_94 = arith.constant 0 : i32
    %dma_start3A_95 = tpu.memref_slice %arg2[%dma_start3A_93, %dma_start3A_94] : memref<10000x128xf32, #tpu.memory_space<hbm>> -> memref<10000x128xf32, #tpu.memory_space<hbm>>
    tpu.enqueue_indirect_dma source(%dma_start3A_95 : memref<10000x128xf32, #tpu.memory_space<hbm>>) target(%arg11 : memref<64x128xf32, #tpu.memory_space<vmem>>) offsets(%arg7 : memref<64xi32, #tpu.memory_space<vmem>>) semaphore(%arg16 : memref<!tpu.dma_semaphore, #tpu.memory_space<semaphore_mem>>)
    %dma_wait3A_96 = arith.constant 0 : i32
    %dma_wait3A_97 = arith.constant 0 : i32
    %dma_wait3A_98 = tpu.memref_slice %arg2[%dma_wait3A_96, %dma_wait3A_97] : memref<10000x128xf32, #tpu.memory_space<hbm>> -> memref<10000x128xf32, #tpu.memory_space<hbm>>
    tpu.wait_indirect_dma semaphore(%arg15 : memref<!tpu.dma_semaphore, #tpu.memory_space<semaphore_mem>>) src(%dma_wait3A_98 : memref<10000x128xf32, #tpu.memory_space<hbm>>) dst(%arg10 : memref<64x128xf32, #tpu.memory_space<vmem>>)
    "tpu.region"() ({
      %run_scoped3A = tpu.sem_alloc : memref<!tpu.dma_semaphore, #tpu.memory_space<semaphore_mem>>
      %dma_start3A_103 = arith.constant 0 : i32
      %dma_start3A_104 = arith.constant 0 : i32
      %dma_start3A_105 = tpu.memref_slice %arg12[%dma_start3A_103, %dma_start3A_104] : memref<10240x128xf32, #tpu.memory_space<vmem_shared>> -> memref<10240x128xf32, #tpu.memory_space<vmem_shared>>
      tpu.enqueue_indirect_dma source(%arg10 : memref<64x128xf32, #tpu.memory_space<vmem>>) target(%dma_start3A_105 : memref<10240x128xf32, #tpu.memory_space<vmem_shared>>) offsets(%arg8 : memref<64xi32, #tpu.memory_space<vmem>>) semaphore(%run_scoped3A : memref<!tpu.dma_semaphore, #tpu.memory_space<semaphore_mem>>) {add = true}
      %dma_wait3A_106 = arith.constant 0 : i32
      %dma_wait3A_107 = arith.constant 0 : i32
      %dma_wait3A_108 = tpu.memref_slice %arg12[%dma_wait3A_106, %dma_wait3A_107] : memref<10240x128xf32, #tpu.memory_space<vmem_shared>> -> memref<10240x128xf32, #tpu.memory_space<vmem_shared>>
      tpu.wait_indirect_dma semaphore(%run_scoped3A : memref<!tpu.dma_semaphore, #tpu.memory_space<semaphore_mem>>) src(%arg10 : memref<64x128xf32, #tpu.memory_space<vmem>>) dst(%dma_wait3A_108 : memref<10240x128xf32, #tpu.memory_space<vmem_shared>>)
      tpu.yield
    }) : () -> ()
    %dma_wait3A_99 = arith.constant 0 : i32
    %dma_wait3A_100 = arith.constant 0 : i32
    %dma_wait3A_101 = tpu.memref_slice %arg2[%dma_wait3A_99, %dma_wait3A_100] : memref<10000x128xf32, #tpu.memory_space<hbm>> -> memref<10000x128xf32, #tpu.memory_space<hbm>>
    tpu.wait_indirect_dma semaphore(%arg16 : memref<!tpu.dma_semaphore, #tpu.memory_space<semaphore_mem>>) src(%dma_wait3A_101 : memref<10000x128xf32, #tpu.memory_space<hbm>>) dst(%arg11 : memref<64x128xf32, #tpu.memory_space<vmem>>)
    "tpu.region"() ({
      %run_scoped3A = tpu.sem_alloc : memref<!tpu.dma_semaphore, #tpu.memory_space<semaphore_mem>>
      %dma_start3A_103 = arith.constant 0 : i32
      %dma_start3A_104 = arith.constant 0 : i32
      %dma_start3A_105 = tpu.memref_slice %arg12[%dma_start3A_103, %dma_start3A_104] : memref<10240x128xf32, #tpu.memory_space<vmem_shared>> -> memref<10240x128xf32, #tpu.memory_space<vmem_shared>>
      tpu.enqueue_indirect_dma source(%arg11 : memref<64x128xf32, #tpu.memory_space<vmem>>) target(%dma_start3A_105 : memref<10240x128xf32, #tpu.memory_space<vmem_shared>>) offsets(%arg9 : memref<64xi32, #tpu.memory_space<vmem>>) semaphore(%run_scoped3A : memref<!tpu.dma_semaphore, #tpu.memory_space<semaphore_mem>>) {add = true}
      %dma_wait3A_106 = arith.constant 0 : i32
      %dma_wait3A_107 = arith.constant 0 : i32
      %dma_wait3A_108 = tpu.memref_slice %arg12[%dma_wait3A_106, %dma_wait3A_107] : memref<10240x128xf32, #tpu.memory_space<vmem_shared>> -> memref<10240x128xf32, #tpu.memory_space<vmem_shared>>
      tpu.wait_indirect_dma semaphore(%run_scoped3A : memref<!tpu.dma_semaphore, #tpu.memory_space<semaphore_mem>>) src(%arg11 : memref<64x128xf32, #tpu.memory_space<vmem>>) dst(%dma_wait3A_108 : memref<10240x128xf32, #tpu.memory_space<vmem_shared>>)
      tpu.yield
    }) : () -> ()
    %barrier3A_102 = arith.constant 0 : index
    tpu.barrier barrier_id(%barrier3A_102)
    "tpu.region"() ({
      %run_scoped3A = tpu.sem_alloc : memref<!tpu.dma_semaphore, #tpu.memory_space<semaphore_mem>>
      %dma_start3A_103 = arith.constant 0 : i32
      %dma_start3A_104 = tpu.memref_slice %arg5[%arg0, %mul3A_17, %dma_start3A_103] : memref<2x10240x128xf32, #tpu.memory_space<hbm>> -> memref<1x640x128xf32, #tpu.memory_space<hbm>>
      %dma_start3A_105 = tpu.memref_squeeze %dma_start3A_104 : memref<1x640x128xf32, #tpu.memory_space<hbm>> -> memref<640x128xf32, #tpu.memory_space<hbm>>
      %dma_start3A_106 = arith.constant 0 : i32
      %dma_start3A_107 = tpu.memref_slice %arg12[%mul3A_17, %dma_start3A_106] : memref<10240x128xf32, #tpu.memory_space<vmem_shared>> -> memref<640x128xf32, #tpu.memory_space<vmem_shared>>
      tpu.enqueue_dma source(%dma_start3A_107 : memref<640x128xf32, #tpu.memory_space<vmem_shared>>) target(%dma_start3A_105 : memref<640x128xf32, #tpu.memory_space<hbm>>) target_semaphore(%run_scoped3A : memref<!tpu.dma_semaphore, #tpu.memory_space<semaphore_mem>>)
      %dma_wait3A_108 = arith.constant 0 : i32
      %dma_wait3A_109 = tpu.memref_slice %arg5[%arg0, %mul3A_17, %dma_wait3A_108] : memref<2x10240x128xf32, #tpu.memory_space<hbm>> -> memref<1x640x128xf32, #tpu.memory_space<hbm>>
      %dma_wait3A_110 = tpu.memref_squeeze %dma_wait3A_109 : memref<1x640x128xf32, #tpu.memory_space<hbm>> -> memref<640x128xf32, #tpu.memory_space<hbm>>
      %dma_wait3A_111 = arith.constant 0 : i32
      %dma_wait3A_112 = tpu.memref_slice %arg12[%mul3A_17, %dma_wait3A_111] : memref<10240x128xf32, #tpu.memory_space<vmem_shared>> -> memref<640x128xf32, #tpu.memory_space<vmem_shared>>
      tpu.wait_dma2 semaphore(%run_scoped3A : memref<!tpu.dma_semaphore, #tpu.memory_space<semaphore_mem>>) src(%dma_wait3A_112 : memref<640x128xf32, #tpu.memory_space<vmem_shared>>) dst(%dma_wait3A_110 : memref<640x128xf32, #tpu.memory_space<hbm>>)
      tpu.yield
    }) : () -> ()
    return
  }
}

#map = affine_map<(d0, d1) -> (0, 0)>
#map1 = affine_map<(d0, d1) -> (0)>
#map2 = affine_map<(d0, d1) -> (0, 0, 0)>
module attributes {stable_mosaic.version = 14 : i64} {
  func.func @agg(%arg0: i32, %arg1: i32, %arg2: memref<10000x128xf32, #tpu.memory_space<hbm>>, %arg3: memref<323584xi32, #tpu.memory_space<hbm>>, %arg4: memref<323584xi32, #tpu.memory_space<hbm>>, %arg5: memref<2x10240x128xf32, #tpu.memory_space<hbm>>, %arg6: memref<2x10240xf32, #tpu.memory_space<hbm>>, %arg7: memref<64xi32, #tpu.memory_space<vmem>>, %arg8: memref<64xi32, #tpu.memory_space<vmem>>, %arg9: memref<64xi32, #tpu.memory_space<vmem>>, %arg10: memref<64xi32, #tpu.memory_space<vmem>>, %arg11: memref<64x128xf32, #tpu.memory_space<vmem>>, %arg12: memref<64x128xf32, #tpu.memory_space<vmem>>, %arg13: memref<10240x128xf32, #tpu.memory_space<vmem_shared>>, %arg14: memref<!tpu.dma_semaphore, #tpu.memory_space<semaphore_mem>>, %arg15: memref<!tpu.dma_semaphore, #tpu.memory_space<semaphore_mem>>, %arg16: memref<!tpu.dma_semaphore, #tpu.memory_space<semaphore_mem>>, %arg17: memref<!tpu.dma_semaphore, #tpu.memory_space<semaphore_mem>>, %arg18: memref<64xf32, #tpu.memory_space<vmem>>, %arg19: memref<64xf32, #tpu.memory_space<vmem>>, %arg20: memref<10240xf32, #tpu.memory_space<vmem_shared>>) attributes {dimension_semantics = [#tpu.dimension_semantics<core_parallel>, #tpu.dimension_semantics<subcore_parallel>], iteration_bounds = array<i64: 2, 16>, scalar_prefetch = 0 : i64, scratch_operands = 14 : i64, tpu.core_type = #tpu.core_type<sc_vector_subcore>, window_params = [{transform_indices = #map}, {transform_indices = #map1}, {transform_indices = #map1}, {transform_indices = #map2}, {transform_indices = #map}]} {
    %eq3A = arith.constant 0 : i32
    %eq3A_0 = arith.cmpi eq, %arg0, %eq3A : i32
    %jit3A = arith.constant 200 : i32
    %jit3A_1 = arith.constant 116 : i32
    %select_n3A = arith.select %eq3A_0, %jit3A, %jit3A_1 : i32
    %eq3A_2 = arith.constant 0 : i32
    %eq3A_3 = arith.cmpi eq, %arg0, %eq3A_2 : i32
    %mul3A = arith.constant 12800 : i32
    %mul3A_4 = arith.muli %arg1, %mul3A : i32
    %mul3A_5 = arith.constant 7424 : i32
    %mul3A_6 = arith.muli %arg1, %mul3A_5 : i32
    %add3A = arith.constant 204800 : i32
    %add3A_7 = arith.addi %add3A, %mul3A_6 : i32
    %select_n3A_8 = arith.select %eq3A_3, %mul3A_4, %add3A_7 : i32
    %broadcast_in_dim3A = arith.constant 0.000000e+00 : f32
    %broadcast_in_dim3A_9 = vector.broadcast %broadcast_in_dim3A : f32 to vector<16xf32>
    %scan3A = arith.constant 0 : i32
    %scan3A_10 = arith.constant 0 : i32
    %scan3A_11 = arith.constant 512 : i32
    %scan3A_12 = arith.addi %scan3A_10, %scan3A_11 : i32
    %scan3A_13 = arith.constant 1 : i32
    %scan3A_14 = scf.for %scan3A_112 = %scan3A_10 to %scan3A_12 step %scan3A_13 iter_args(%scan3A_113 = %scan3A) -> (i32)  : i32 {
      %jit3A_114 = arith.constant 8 : i32
      %div3A_115 = arith.divsi %scan3A_112, %jit3A_114 : i32
      %sign3A_116 = arith.constant 0 : i32
      %sign3A_117 = arith.cmpi sgt, %scan3A_112, %sign3A_116 : i32
      %sign3A_118 = arith.extui %sign3A_117 : i1 to i32
      %sign3A_119 = arith.constant 0 : i32
      %sign3A_120 = arith.cmpi slt, %scan3A_112, %sign3A_119 : i32
      %sign3A_121 = arith.extui %sign3A_120 : i1 to i32
      %sign3A_122 = arith.subi %sign3A_118, %sign3A_121 : i32
      %sign3A_123 = arith.constant 0 : i32
      %sign3A_124 = arith.cmpi sgt, %jit3A_114, %sign3A_123 : i32
      %sign3A_125 = arith.extui %sign3A_124 : i1 to i32
      %sign3A_126 = arith.constant 0 : i32
      %sign3A_127 = arith.cmpi slt, %jit3A_114, %sign3A_126 : i32
      %sign3A_128 = arith.extui %sign3A_127 : i1 to i32
      %sign3A_129 = arith.subi %sign3A_125, %sign3A_128 : i32
      %ne3A_130 = arith.cmpi ne, %sign3A_122, %sign3A_129 : i32
      %rem3A_131 = arith.remsi %scan3A_112, %jit3A_114 : i32
      %ne3A_132 = arith.constant 0 : i32
      %ne3A_133 = arith.cmpi ne, %rem3A_131, %ne3A_132 : i32
      %and3A_134 = arith.andi %ne3A_130, %ne3A_133 : i1
      %sub3A_135 = arith.constant 1 : i32
      %sub3A_136 = arith.subi %div3A_115, %sub3A_135 : i32
      %select_n3A_137 = arith.select %and3A_134, %sub3A_136, %div3A_115 : i32
      %jit3A_138 = arith.constant 8 : i32
      %eq3A_139 = arith.constant 0 : i32
      %eq3A_140 = arith.cmpi eq, %jit3A_138, %eq3A_139 : i32
      %jit3A_141 = arith.constant 1 : i32
      %select_n3A_142 = arith.select %eq3A_140, %jit3A_141, %jit3A_138 : i32
      %rem3A_143 = arith.remsi %scan3A_112, %select_n3A_142 : i32
      %ne3A_144 = arith.constant 0 : i32
      %ne3A_145 = arith.cmpi ne, %rem3A_143, %ne3A_144 : i32
      %lt3A = arith.constant 0 : i32
      %lt3A_146 = arith.cmpi slt, %rem3A_143, %lt3A : i32
      %lt3A_147 = arith.constant 0 : i32
      %lt3A_148 = arith.cmpi slt, %select_n3A_142, %lt3A_147 : i32
      %ne3A_149 = arith.xori %lt3A_146, %lt3A_148 : i1
      %and3A_150 = arith.andi %ne3A_149, %ne3A_145 : i1
      %add3A_151 = arith.addi %rem3A_143, %select_n3A_142 : i32
      %select_n3A_152 = arith.select %and3A_150, %add3A_151, %rem3A_143 : i32
      %mul3A_153 = arith.constant 16 : i32
      %mul3A_154 = arith.muli %select_n3A_152, %mul3A_153 : i32
      %swap3A = arith.index_cast %select_n3A_137 : i32 to index
      %swap3A_155 = arith.index_cast %mul3A_154 : i32 to index
      %swap3A_156 = tpu.vector_load %arg11[%swap3A, %swap3A_155] {strides = array<i32>} : memref<64x128xf32, #tpu.memory_space<vmem>>, vector<1x16xf32>,
      %swap3A_157 = vector.shape_cast %swap3A_156 : vector<1x16xf32> to vector<16xf32>
      %swap3A_158 = vector.shape_cast %broadcast_in_dim3A_9 : vector<16xf32> to vector<1x16xf32>
      tpu.vector_store %arg11[%swap3A, %swap3A_155], %swap3A_158 {strides = array<i32>} : memref<64x128xf32, #tpu.memory_space<vmem>>, vector<1x16xf32>,
      %scan3A_159 = arith.constant 0 : i32
      scf.yield %scan3A_159 : i32
    }
    %scan3A_15 = arith.constant 512 : i32
    %broadcast_in_dim3A_16 = arith.constant 1.000000e+00 : f32
    %broadcast_in_dim3A_17 = vector.broadcast %broadcast_in_dim3A_16 : f32 to vector<16xf32>
    %scan3A_18 = arith.constant 0 : i32
    %scan3A_19 = arith.constant 0 : i32
    %scan3A_20 = arith.constant 4 : i32
    %scan3A_21 = arith.addi %scan3A_19, %scan3A_20 : i32
    %scan3A_22 = arith.constant 1 : i32
    %scan3A_23 = scf.for %scan3A_112 = %scan3A_19 to %scan3A_21 step %scan3A_22 iter_args(%scan3A_113 = %scan3A_18) -> (i32)  : i32 {
      %mul3A_114 = arith.constant 16 : i32
      %mul3A_115 = arith.muli %scan3A_112, %mul3A_114 : i32
      %swap3A = arith.index_cast %mul3A_115 : i32 to index
      %swap3A_116 = tpu.vector_load %arg19[%swap3A] {strides = array<i32>} : memref<64xf32, #tpu.memory_space<vmem>>, vector<16xf32>,
      %swap3A_117 = vector.shape_cast %swap3A_116 : vector<16xf32> to vector<16xf32>
      %swap3A_118 = vector.shape_cast %broadcast_in_dim3A_9 : vector<16xf32> to vector<16xf32>
      tpu.vector_store %arg19[%swap3A], %swap3A_118 {strides = array<i32>} : memref<64xf32, #tpu.memory_space<vmem>>, vector<16xf32>,
      %mul3A_119 = arith.constant 16 : i32
      %mul3A_120 = arith.muli %scan3A_112, %mul3A_119 : i32
      %swap3A_121 = arith.index_cast %mul3A_120 : i32 to index
      %swap3A_122 = tpu.vector_load %arg18[%swap3A_121] {strides = array<i32>} : memref<64xf32, #tpu.memory_space<vmem>>, vector<16xf32>,
      %swap3A_123 = vector.shape_cast %swap3A_122 : vector<16xf32> to vector<16xf32>
      %swap3A_124 = vector.shape_cast %broadcast_in_dim3A_17 : vector<16xf32> to vector<16xf32>
      tpu.vector_store %arg18[%swap3A_121], %swap3A_124 {strides = array<i32>} : memref<64xf32, #tpu.memory_space<vmem>>, vector<16xf32>,
      %scan3A_125 = arith.constant 0 : i32
      scf.yield %scan3A_125 : i32
    }
    %scan3A_24 = arith.constant 4 : i32
    %mul3A_25 = arith.constant 640 : i32
    %mul3A_26 = arith.muli %arg1, %mul3A_25 : i32
    %scan3A_27 = arith.constant 0 : i32
    %scan3A_28 = arith.constant 0 : i32
    %scan3A_29 = arith.constant 10 : i32
    %scan3A_30 = arith.addi %scan3A_28, %scan3A_29 : i32
    %scan3A_31 = arith.constant 1 : i32
    %scan3A_32 = scf.for %scan3A_112 = %scan3A_28 to %scan3A_30 step %scan3A_31 iter_args(%scan3A_113 = %scan3A_27) -> (i32)  : i32 {
      %mul3A_114 = arith.constant 64 : i32
      %mul3A_115 = arith.muli %scan3A_112, %mul3A_114 : i32
      %add3A_116 = arith.addi %mul3A_26, %mul3A_115 : i32
      "tpu.region"() ({
        %run_scoped3A = tpu.sem_alloc : memref<!tpu.dma_semaphore, #tpu.memory_space<semaphore_mem>>
        %dma_start3A_121 = arith.constant 0 : i32
        %dma_start3A_122 = tpu.memref_slice %arg13[%add3A_116, %dma_start3A_121] : memref<10240x128xf32, #tpu.memory_space<vmem_shared>> -> memref<64x128xf32, #tpu.memory_space<vmem_shared>>
        %dma_start3A_123 = arith.constant 0 : i32
        %dma_start3A_124 = tpu.memref_slice %arg13[%add3A_116, %dma_start3A_123] : memref<10240x128xf32, #tpu.memory_space<vmem_shared>> -> memref<64x128xf32, #tpu.memory_space<vmem_shared>>
        tpu.enqueue_dma source(%arg11 : memref<64x128xf32, #tpu.memory_space<vmem>>) target(%dma_start3A_124 : memref<64x128xf32, #tpu.memory_space<vmem_shared>>) target_semaphore(%run_scoped3A : memref<!tpu.dma_semaphore, #tpu.memory_space<semaphore_mem>>)
        %dma_wait3A_125 = arith.constant 0 : i32
        %dma_wait3A_126 = tpu.memref_slice %arg13[%add3A_116, %dma_wait3A_125] : memref<10240x128xf32, #tpu.memory_space<vmem_shared>> -> memref<64x128xf32, #tpu.memory_space<vmem_shared>>
        %dma_wait3A_127 = arith.constant 0 : i32
        %dma_wait3A_128 = tpu.memref_slice %arg13[%add3A_116, %dma_wait3A_127] : memref<10240x128xf32, #tpu.memory_space<vmem_shared>> -> memref<64x128xf32, #tpu.memory_space<vmem_shared>>
        tpu.wait_dma2 semaphore(%run_scoped3A : memref<!tpu.dma_semaphore, #tpu.memory_space<semaphore_mem>>) src(%arg11 : memref<64x128xf32, #tpu.memory_space<vmem>>) dst(%dma_wait3A_128 : memref<64x128xf32, #tpu.memory_space<vmem_shared>>)
        tpu.yield
      }) : () -> ()
      %mul3A_117 = arith.constant 64 : i32
      %mul3A_118 = arith.muli %scan3A_112, %mul3A_117 : i32
      %add3A_119 = arith.addi %mul3A_26, %mul3A_118 : i32
      "tpu.region"() ({
        %run_scoped3A = tpu.sem_alloc : memref<!tpu.dma_semaphore, #tpu.memory_space<semaphore_mem>>
        %dma_start3A_121 = tpu.memref_slice %arg20[%add3A_119] : memref<10240xf32, #tpu.memory_space<vmem_shared>> -> memref<64xf32, #tpu.memory_space<vmem_shared>>
        %dma_start3A_122 = tpu.memref_slice %arg20[%add3A_119] : memref<10240xf32, #tpu.memory_space<vmem_shared>> -> memref<64xf32, #tpu.memory_space<vmem_shared>>
        tpu.enqueue_dma source(%arg19 : memref<64xf32, #tpu.memory_space<vmem>>) target(%dma_start3A_122 : memref<64xf32, #tpu.memory_space<vmem_shared>>) target_semaphore(%run_scoped3A : memref<!tpu.dma_semaphore, #tpu.memory_space<semaphore_mem>>)
        %dma_wait3A_123 = tpu.memref_slice %arg20[%add3A_119] : memref<10240xf32, #tpu.memory_space<vmem_shared>> -> memref<64xf32, #tpu.memory_space<vmem_shared>>
        %dma_wait3A_124 = tpu.memref_slice %arg20[%add3A_119] : memref<10240xf32, #tpu.memory_space<vmem_shared>> -> memref<64xf32, #tpu.memory_space<vmem_shared>>
        tpu.wait_dma2 semaphore(%run_scoped3A : memref<!tpu.dma_semaphore, #tpu.memory_space<semaphore_mem>>) src(%arg19 : memref<64xf32, #tpu.memory_space<vmem>>) dst(%dma_wait3A_124 : memref<64xf32, #tpu.memory_space<vmem_shared>>)
        tpu.yield
      }) : () -> ()
      %scan3A_120 = arith.constant 0 : i32
      scf.yield %scan3A_120 : i32
    }
    %scan3A_33 = arith.constant 10 : i32
    %barrier3A = arith.constant 0 : index
    tpu.barrier barrier_id(%barrier3A)
    %add3A_34 = arith.constant 0 : i32
    %add3A_35 = arith.addi %select_n3A_8, %add3A_34 : i32
    %dma_start3A = tpu.memref_slice %arg3[%add3A_35] : memref<323584xi32, #tpu.memory_space<hbm>> -> memref<64xi32, #tpu.memory_space<hbm>>
    %dma_start3A_36 = tpu.memref_slice %arg3[%add3A_35] : memref<323584xi32, #tpu.memory_space<hbm>> -> memref<64xi32, #tpu.memory_space<hbm>>
    tpu.enqueue_dma source(%dma_start3A_36 : memref<64xi32, #tpu.memory_space<hbm>>) target(%arg7 : memref<64xi32, #tpu.memory_space<vmem>>) target_semaphore(%arg14 : memref<!tpu.dma_semaphore, #tpu.memory_space<semaphore_mem>>)
    %add3A_37 = arith.constant 0 : i32
    %add3A_38 = arith.addi %select_n3A_8, %add3A_37 : i32
    %dma_start3A_39 = tpu.memref_slice %arg4[%add3A_38] : memref<323584xi32, #tpu.memory_space<hbm>> -> memref<64xi32, #tpu.memory_space<hbm>>
    %dma_start3A_40 = tpu.memref_slice %arg4[%add3A_38] : memref<323584xi32, #tpu.memory_space<hbm>> -> memref<64xi32, #tpu.memory_space<hbm>>
    tpu.enqueue_dma source(%dma_start3A_40 : memref<64xi32, #tpu.memory_space<hbm>>) target(%arg9 : memref<64xi32, #tpu.memory_space<vmem>>) target_semaphore(%arg14 : memref<!tpu.dma_semaphore, #tpu.memory_space<semaphore_mem>>)
    %add3A_41 = arith.constant 64 : i32
    %add3A_42 = arith.addi %select_n3A_8, %add3A_41 : i32
    %dma_start3A_43 = tpu.memref_slice %arg3[%add3A_42] : memref<323584xi32, #tpu.memory_space<hbm>> -> memref<64xi32, #tpu.memory_space<hbm>>
    %dma_start3A_44 = tpu.memref_slice %arg3[%add3A_42] : memref<323584xi32, #tpu.memory_space<hbm>> -> memref<64xi32, #tpu.memory_space<hbm>>
    tpu.enqueue_dma source(%dma_start3A_44 : memref<64xi32, #tpu.memory_space<hbm>>) target(%arg8 : memref<64xi32, #tpu.memory_space<vmem>>) target_semaphore(%arg15 : memref<!tpu.dma_semaphore, #tpu.memory_space<semaphore_mem>>)
    %add3A_45 = arith.constant 64 : i32
    %add3A_46 = arith.addi %select_n3A_8, %add3A_45 : i32
    %dma_start3A_47 = tpu.memref_slice %arg4[%add3A_46] : memref<323584xi32, #tpu.memory_space<hbm>> -> memref<64xi32, #tpu.memory_space<hbm>>
    %dma_start3A_48 = tpu.memref_slice %arg4[%add3A_46] : memref<323584xi32, #tpu.memory_space<hbm>> -> memref<64xi32, #tpu.memory_space<hbm>>
    tpu.enqueue_dma source(%dma_start3A_48 : memref<64xi32, #tpu.memory_space<hbm>>) target(%arg10 : memref<64xi32, #tpu.memory_space<vmem>>) target_semaphore(%arg15 : memref<!tpu.dma_semaphore, #tpu.memory_space<semaphore_mem>>)
    %add3A_49 = arith.constant 0 : i32
    %add3A_50 = arith.addi %select_n3A_8, %add3A_49 : i32
    %dma_wait3A = tpu.memref_slice %arg3[%add3A_50] : memref<323584xi32, #tpu.memory_space<hbm>> -> memref<64xi32, #tpu.memory_space<hbm>>
    %dma_wait3A_51 = tpu.memref_slice %arg3[%add3A_50] : memref<323584xi32, #tpu.memory_space<hbm>> -> memref<64xi32, #tpu.memory_space<hbm>>
    tpu.wait_dma2 semaphore(%arg14 : memref<!tpu.dma_semaphore, #tpu.memory_space<semaphore_mem>>) src(%dma_wait3A_51 : memref<64xi32, #tpu.memory_space<hbm>>) dst(%arg7 : memref<64xi32, #tpu.memory_space<vmem>>)
    %add3A_52 = arith.constant 0 : i32
    %add3A_53 = arith.addi %select_n3A_8, %add3A_52 : i32
    %dma_wait3A_54 = tpu.memref_slice %arg4[%add3A_53] : memref<323584xi32, #tpu.memory_space<hbm>> -> memref<64xi32, #tpu.memory_space<hbm>>
    %dma_wait3A_55 = tpu.memref_slice %arg4[%add3A_53] : memref<323584xi32, #tpu.memory_space<hbm>> -> memref<64xi32, #tpu.memory_space<hbm>>
    tpu.wait_dma2 semaphore(%arg14 : memref<!tpu.dma_semaphore, #tpu.memory_space<semaphore_mem>>) src(%dma_wait3A_55 : memref<64xi32, #tpu.memory_space<hbm>>) dst(%arg9 : memref<64xi32, #tpu.memory_space<vmem>>)
    %dma_start3A_56 = arith.constant 0 : i32
    %dma_start3A_57 = arith.constant 0 : i32
    %dma_start3A_58 = tpu.memref_slice %arg2[%dma_start3A_56, %dma_start3A_57] : memref<10000x128xf32, #tpu.memory_space<hbm>> -> memref<10000x128xf32, #tpu.memory_space<hbm>>
    tpu.enqueue_indirect_dma source(%dma_start3A_58 : memref<10000x128xf32, #tpu.memory_space<hbm>>) target(%arg11 : memref<64x128xf32, #tpu.memory_space<vmem>>) offsets(%arg7 : memref<64xi32, #tpu.memory_space<vmem>>) semaphore(%arg16 : memref<!tpu.dma_semaphore, #tpu.memory_space<semaphore_mem>>)
    %jit3A_59 = arith.constant 2 : i32
    %div3A = arith.divsi %select_n3A, %jit3A_59 : i32
    %sign3A = arith.constant 0 : i32
    %sign3A_60 = arith.cmpi sgt, %select_n3A, %sign3A : i32
    %sign3A_61 = arith.extui %sign3A_60 : i1 to i32
    %sign3A_62 = arith.constant 0 : i32
    %sign3A_63 = arith.cmpi slt, %select_n3A, %sign3A_62 : i32
    %sign3A_64 = arith.extui %sign3A_63 : i1 to i32
    %sign3A_65 = arith.subi %sign3A_61, %sign3A_64 : i32
    %sign3A_66 = arith.constant 0 : i32
    %sign3A_67 = arith.cmpi sgt, %jit3A_59, %sign3A_66 : i32
    %sign3A_68 = arith.extui %sign3A_67 : i1 to i32
    %sign3A_69 = arith.constant 0 : i32
    %sign3A_70 = arith.cmpi slt, %jit3A_59, %sign3A_69 : i32
    %sign3A_71 = arith.extui %sign3A_70 : i1 to i32
    %sign3A_72 = arith.subi %sign3A_68, %sign3A_71 : i32
    %ne3A = arith.cmpi ne, %sign3A_65, %sign3A_72 : i32
    %rem3A = arith.remsi %select_n3A, %jit3A_59 : i32
    %ne3A_73 = arith.constant 0 : i32
    %ne3A_74 = arith.cmpi ne, %rem3A, %ne3A_73 : i32
    %and3A = arith.andi %ne3A, %ne3A_74 : i1
    %sub3A = arith.constant 1 : i32
    %sub3A_75 = arith.subi %div3A, %sub3A : i32
    %select_n3A_76 = arith.select %and3A, %sub3A_75, %div3A : i32
    %sub3A_77 = arith.constant 1 : i32
    %sub3A_78 = arith.subi %select_n3A_76, %sub3A_77 : i32
    %while3A = arith.constant 0 : i32
    %while3A_79 = arith.constant 0 : i32
    %while3A_80 = arith.subi %sub3A_78, %while3A : i32
    %while3A_81 = arith.addi %while3A, %while3A_80 : i32
    %while3A_82 = arith.constant 1 : i32
    %while3A_83 = arith.divsi %while3A_80, %while3A_82 : i32
    %while3A_84 = arith.muli %while3A_83, %while3A_82 : i32
    %while3A_85 = arith.addi %while3A, %while3A_84 : i32
    %while3A_86 = arith.constant 1 : i32
    %while3A_87 = scf.for %while3A_112 = %while3A to %while3A_85 step %while3A_86 iter_args(%while3A_113 = %while3A_79) -> (i32)  : i32 {
      %mul3A_114 = arith.constant 2 : i32
      %mul3A_115 = arith.muli %while3A_112, %mul3A_114 : i32
      %add3A_116 = arith.constant 0 : i32
      %add3A_117 = arith.addi %mul3A_115, %add3A_116 : i32
      %add3A_118 = arith.constant 2 : i32
      %add3A_119 = arith.addi %add3A_117, %add3A_118 : i32
      %sub3A_120 = arith.constant 1 : i32
      %sub3A_121 = arith.subi %add3A_119, %sub3A_120 : i32
      %mul3A_122 = arith.constant 64 : i32
      %mul3A_123 = arith.muli %sub3A_121, %mul3A_122 : i32
      %add3A_124 = arith.addi %select_n3A_8, %mul3A_123 : i32
      %dma_wait3A_125 = tpu.memref_slice %arg3[%add3A_124] : memref<323584xi32, #tpu.memory_space<hbm>> -> memref<64xi32, #tpu.memory_space<hbm>>
      %dma_wait3A_126 = tpu.memref_slice %arg3[%add3A_124] : memref<323584xi32, #tpu.memory_space<hbm>> -> memref<64xi32, #tpu.memory_space<hbm>>
      tpu.wait_dma2 semaphore(%arg15 : memref<!tpu.dma_semaphore, #tpu.memory_space<semaphore_mem>>) src(%dma_wait3A_126 : memref<64xi32, #tpu.memory_space<hbm>>) dst(%arg8 : memref<64xi32, #tpu.memory_space<vmem>>)
      %mul3A_127 = arith.constant 64 : i32
      %mul3A_128 = arith.muli %sub3A_121, %mul3A_127 : i32
      %add3A_129 = arith.addi %select_n3A_8, %mul3A_128 : i32
      %dma_wait3A_130 = tpu.memref_slice %arg4[%add3A_129] : memref<323584xi32, #tpu.memory_space<hbm>> -> memref<64xi32, #tpu.memory_space<hbm>>
      %dma_wait3A_131 = tpu.memref_slice %arg4[%add3A_129] : memref<323584xi32, #tpu.memory_space<hbm>> -> memref<64xi32, #tpu.memory_space<hbm>>
      tpu.wait_dma2 semaphore(%arg15 : memref<!tpu.dma_semaphore, #tpu.memory_space<semaphore_mem>>) src(%dma_wait3A_131 : memref<64xi32, #tpu.memory_space<hbm>>) dst(%arg10 : memref<64xi32, #tpu.memory_space<vmem>>)
      %dma_start3A_132 = arith.constant 0 : i32
      %dma_start3A_133 = arith.constant 0 : i32
      %dma_start3A_134 = tpu.memref_slice %arg2[%dma_start3A_132, %dma_start3A_133] : memref<10000x128xf32, #tpu.memory_space<hbm>> -> memref<10000x128xf32, #tpu.memory_space<hbm>>
      tpu.enqueue_indirect_dma source(%dma_start3A_134 : memref<10000x128xf32, #tpu.memory_space<hbm>>) target(%arg12 : memref<64x128xf32, #tpu.memory_space<vmem>>) offsets(%arg8 : memref<64xi32, #tpu.memory_space<vmem>>) semaphore(%arg17 : memref<!tpu.dma_semaphore, #tpu.memory_space<semaphore_mem>>)
      %dma_wait3A_135 = arith.constant 0 : i32
      %dma_wait3A_136 = arith.constant 0 : i32
      %dma_wait3A_137 = tpu.memref_slice %arg2[%dma_wait3A_135, %dma_wait3A_136] : memref<10000x128xf32, #tpu.memory_space<hbm>> -> memref<10000x128xf32, #tpu.memory_space<hbm>>
      tpu.wait_indirect_dma semaphore(%arg16 : memref<!tpu.dma_semaphore, #tpu.memory_space<semaphore_mem>>) src(%dma_wait3A_137 : memref<10000x128xf32, #tpu.memory_space<hbm>>) dst(%arg11 : memref<64x128xf32, #tpu.memory_space<vmem>>)
      "tpu.region"() ({
        %run_scoped3A = tpu.sem_alloc : memref<!tpu.dma_semaphore, #tpu.memory_space<semaphore_mem>>
        %dma_start3A_185 = arith.constant 0 : i32
        %dma_start3A_186 = arith.constant 0 : i32
        %dma_start3A_187 = tpu.memref_slice %arg13[%dma_start3A_185, %dma_start3A_186] : memref<10240x128xf32, #tpu.memory_space<vmem_shared>> -> memref<10240x128xf32, #tpu.memory_space<vmem_shared>>
        tpu.enqueue_indirect_dma source(%arg11 : memref<64x128xf32, #tpu.memory_space<vmem>>) target(%dma_start3A_187 : memref<10240x128xf32, #tpu.memory_space<vmem_shared>>) offsets(%arg9 : memref<64xi32, #tpu.memory_space<vmem>>) semaphore(%run_scoped3A : memref<!tpu.dma_semaphore, #tpu.memory_space<semaphore_mem>>) {add = true}
        %dma_wait3A_188 = arith.constant 0 : i32
        %dma_wait3A_189 = arith.constant 0 : i32
        %dma_wait3A_190 = tpu.memref_slice %arg13[%dma_wait3A_188, %dma_wait3A_189] : memref<10240x128xf32, #tpu.memory_space<vmem_shared>> -> memref<10240x128xf32, #tpu.memory_space<vmem_shared>>
        tpu.wait_indirect_dma semaphore(%run_scoped3A : memref<!tpu.dma_semaphore, #tpu.memory_space<semaphore_mem>>) src(%arg11 : memref<64x128xf32, #tpu.memory_space<vmem>>) dst(%dma_wait3A_190 : memref<10240x128xf32, #tpu.memory_space<vmem_shared>>)
        tpu.yield
      }) : () -> ()
      "tpu.region"() ({
        %run_scoped3A = tpu.sem_alloc : memref<!tpu.dma_semaphore, #tpu.memory_space<semaphore_mem>>
        %dma_start3A_185 = arith.constant 0 : i32
        %dma_start3A_186 = tpu.memref_slice %arg20[%dma_start3A_185] : memref<10240xf32, #tpu.memory_space<vmem_shared>> -> memref<10240xf32, #tpu.memory_space<vmem_shared>>
        tpu.enqueue_indirect_dma source(%arg18 : memref<64xf32, #tpu.memory_space<vmem>>) target(%dma_start3A_186 : memref<10240xf32, #tpu.memory_space<vmem_shared>>) offsets(%arg9 : memref<64xi32, #tpu.memory_space<vmem>>) semaphore(%run_scoped3A : memref<!tpu.dma_semaphore, #tpu.memory_space<semaphore_mem>>) {add = true}
        %dma_wait3A_187 = arith.constant 0 : i32
        %dma_wait3A_188 = tpu.memref_slice %arg20[%dma_wait3A_187] : memref<10240xf32, #tpu.memory_space<vmem_shared>> -> memref<10240xf32, #tpu.memory_space<vmem_shared>>
        tpu.wait_indirect_dma semaphore(%run_scoped3A : memref<!tpu.dma_semaphore, #tpu.memory_space<semaphore_mem>>) src(%arg18 : memref<64xf32, #tpu.memory_space<vmem>>) dst(%dma_wait3A_188 : memref<10240xf32, #tpu.memory_space<vmem_shared>>)
        tpu.yield
      }) : () -> ()
      %add3A_138 = arith.constant 2 : i32
      %add3A_139 = arith.addi %add3A_117, %add3A_138 : i32
      %mul3A_140 = arith.constant 64 : i32
      %mul3A_141 = arith.muli %add3A_139, %mul3A_140 : i32
      %add3A_142 = arith.addi %select_n3A_8, %mul3A_141 : i32
      %dma_start3A_143 = tpu.memref_slice %arg3[%add3A_142] : memref<323584xi32, #tpu.memory_space<hbm>> -> memref<64xi32, #tpu.memory_space<hbm>>
      %dma_start3A_144 = tpu.memref_slice %arg3[%add3A_142] : memref<323584xi32, #tpu.memory_space<hbm>> -> memref<64xi32, #tpu.memory_space<hbm>>
      tpu.enqueue_dma source(%dma_start3A_144 : memref<64xi32, #tpu.memory_space<hbm>>) target(%arg7 : memref<64xi32, #tpu.memory_space<vmem>>) target_semaphore(%arg14 : memref<!tpu.dma_semaphore, #tpu.memory_space<semaphore_mem>>)
      %mul3A_145 = arith.constant 64 : i32
      %mul3A_146 = arith.muli %add3A_139, %mul3A_145 : i32
      %add3A_147 = arith.addi %select_n3A_8, %mul3A_146 : i32
      %dma_start3A_148 = tpu.memref_slice %arg4[%add3A_147] : memref<323584xi32, #tpu.memory_space<hbm>> -> memref<64xi32, #tpu.memory_space<hbm>>
      %dma_start3A_149 = tpu.memref_slice %arg4[%add3A_147] : memref<323584xi32, #tpu.memory_space<hbm>> -> memref<64xi32, #tpu.memory_space<hbm>>
      tpu.enqueue_dma source(%dma_start3A_149 : memref<64xi32, #tpu.memory_space<hbm>>) target(%arg9 : memref<64xi32, #tpu.memory_space<vmem>>) target_semaphore(%arg14 : memref<!tpu.dma_semaphore, #tpu.memory_space<semaphore_mem>>)
      %add3A_150 = arith.constant 1 : i32
      %add3A_151 = arith.addi %mul3A_115, %add3A_150 : i32
      %add3A_152 = arith.constant 2 : i32
      %add3A_153 = arith.addi %add3A_151, %add3A_152 : i32
      %sub3A_154 = arith.constant 1 : i32
      %sub3A_155 = arith.subi %add3A_153, %sub3A_154 : i32
      %mul3A_156 = arith.constant 64 : i32
      %mul3A_157 = arith.muli %sub3A_155, %mul3A_156 : i32
      %add3A_158 = arith.addi %select_n3A_8, %mul3A_157 : i32
      %dma_wait3A_159 = tpu.memref_slice %arg3[%add3A_158] : memref<323584xi32, #tpu.memory_space<hbm>> -> memref<64xi32, #tpu.memory_space<hbm>>
      %dma_wait3A_160 = tpu.memref_slice %arg3[%add3A_158] : memref<323584xi32, #tpu.memory_space<hbm>> -> memref<64xi32, #tpu.memory_space<hbm>>
      tpu.wait_dma2 semaphore(%arg14 : memref<!tpu.dma_semaphore, #tpu.memory_space<semaphore_mem>>) src(%dma_wait3A_160 : memref<64xi32, #tpu.memory_space<hbm>>) dst(%arg7 : memref<64xi32, #tpu.memory_space<vmem>>)
      %mul3A_161 = arith.constant 64 : i32
      %mul3A_162 = arith.muli %sub3A_155, %mul3A_161 : i32
      %add3A_163 = arith.addi %select_n3A_8, %mul3A_162 : i32
      %dma_wait3A_164 = tpu.memref_slice %arg4[%add3A_163] : memref<323584xi32, #tpu.memory_space<hbm>> -> memref<64xi32, #tpu.memory_space<hbm>>
      %dma_wait3A_165 = tpu.memref_slice %arg4[%add3A_163] : memref<323584xi32, #tpu.memory_space<hbm>> -> memref<64xi32, #tpu.memory_space<hbm>>
      tpu.wait_dma2 semaphore(%arg14 : memref<!tpu.dma_semaphore, #tpu.memory_space<semaphore_mem>>) src(%dma_wait3A_165 : memref<64xi32, #tpu.memory_space<hbm>>) dst(%arg9 : memref<64xi32, #tpu.memory_space<vmem>>)
      %dma_start3A_166 = arith.constant 0 : i32
      %dma_start3A_167 = arith.constant 0 : i32
      %dma_start3A_168 = tpu.memref_slice %arg2[%dma_start3A_166, %dma_start3A_167] : memref<10000x128xf32, #tpu.memory_space<hbm>> -> memref<10000x128xf32, #tpu.memory_space<hbm>>
      tpu.enqueue_indirect_dma source(%dma_start3A_168 : memref<10000x128xf32, #tpu.memory_space<hbm>>) target(%arg11 : memref<64x128xf32, #tpu.memory_space<vmem>>) offsets(%arg7 : memref<64xi32, #tpu.memory_space<vmem>>) semaphore(%arg16 : memref<!tpu.dma_semaphore, #tpu.memory_space<semaphore_mem>>)
      %dma_wait3A_169 = arith.constant 0 : i32
      %dma_wait3A_170 = arith.constant 0 : i32
      %dma_wait3A_171 = tpu.memref_slice %arg2[%dma_wait3A_169, %dma_wait3A_170] : memref<10000x128xf32, #tpu.memory_space<hbm>> -> memref<10000x128xf32, #tpu.memory_space<hbm>>
      tpu.wait_indirect_dma semaphore(%arg17 : memref<!tpu.dma_semaphore, #tpu.memory_space<semaphore_mem>>) src(%dma_wait3A_171 : memref<10000x128xf32, #tpu.memory_space<hbm>>) dst(%arg12 : memref<64x128xf32, #tpu.memory_space<vmem>>)
      "tpu.region"() ({
        %run_scoped3A = tpu.sem_alloc : memref<!tpu.dma_semaphore, #tpu.memory_space<semaphore_mem>>
        %dma_start3A_185 = arith.constant 0 : i32
        %dma_start3A_186 = arith.constant 0 : i32
        %dma_start3A_187 = tpu.memref_slice %arg13[%dma_start3A_185, %dma_start3A_186] : memref<10240x128xf32, #tpu.memory_space<vmem_shared>> -> memref<10240x128xf32, #tpu.memory_space<vmem_shared>>
        tpu.enqueue_indirect_dma source(%arg12 : memref<64x128xf32, #tpu.memory_space<vmem>>) target(%dma_start3A_187 : memref<10240x128xf32, #tpu.memory_space<vmem_shared>>) offsets(%arg10 : memref<64xi32, #tpu.memory_space<vmem>>) semaphore(%run_scoped3A : memref<!tpu.dma_semaphore, #tpu.memory_space<semaphore_mem>>) {add = true}
        %dma_wait3A_188 = arith.constant 0 : i32
        %dma_wait3A_189 = arith.constant 0 : i32
        %dma_wait3A_190 = tpu.memref_slice %arg13[%dma_wait3A_188, %dma_wait3A_189] : memref<10240x128xf32, #tpu.memory_space<vmem_shared>> -> memref<10240x128xf32, #tpu.memory_space<vmem_shared>>
        tpu.wait_indirect_dma semaphore(%run_scoped3A : memref<!tpu.dma_semaphore, #tpu.memory_space<semaphore_mem>>) src(%arg12 : memref<64x128xf32, #tpu.memory_space<vmem>>) dst(%dma_wait3A_190 : memref<10240x128xf32, #tpu.memory_space<vmem_shared>>)
        tpu.yield
      }) : () -> ()
      "tpu.region"() ({
        %run_scoped3A = tpu.sem_alloc : memref<!tpu.dma_semaphore, #tpu.memory_space<semaphore_mem>>
        %dma_start3A_185 = arith.constant 0 : i32
        %dma_start3A_186 = tpu.memref_slice %arg20[%dma_start3A_185] : memref<10240xf32, #tpu.memory_space<vmem_shared>> -> memref<10240xf32, #tpu.memory_space<vmem_shared>>
        tpu.enqueue_indirect_dma source(%arg18 : memref<64xf32, #tpu.memory_space<vmem>>) target(%dma_start3A_186 : memref<10240xf32, #tpu.memory_space<vmem_shared>>) offsets(%arg10 : memref<64xi32, #tpu.memory_space<vmem>>) semaphore(%run_scoped3A : memref<!tpu.dma_semaphore, #tpu.memory_space<semaphore_mem>>) {add = true}
        %dma_wait3A_187 = arith.constant 0 : i32
        %dma_wait3A_188 = tpu.memref_slice %arg20[%dma_wait3A_187] : memref<10240xf32, #tpu.memory_space<vmem_shared>> -> memref<10240xf32, #tpu.memory_space<vmem_shared>>
        tpu.wait_indirect_dma semaphore(%run_scoped3A : memref<!tpu.dma_semaphore, #tpu.memory_space<semaphore_mem>>) src(%arg18 : memref<64xf32, #tpu.memory_space<vmem>>) dst(%dma_wait3A_188 : memref<10240xf32, #tpu.memory_space<vmem_shared>>)
        tpu.yield
      }) : () -> ()
      %add3A_172 = arith.constant 2 : i32
      %add3A_173 = arith.addi %add3A_151, %add3A_172 : i32
      %mul3A_174 = arith.constant 64 : i32
      %mul3A_175 = arith.muli %add3A_173, %mul3A_174 : i32
      %add3A_176 = arith.addi %select_n3A_8, %mul3A_175 : i32
      %dma_start3A_177 = tpu.memref_slice %arg3[%add3A_176] : memref<323584xi32, #tpu.memory_space<hbm>> -> memref<64xi32, #tpu.memory_space<hbm>>
      %dma_start3A_178 = tpu.memref_slice %arg3[%add3A_176] : memref<323584xi32, #tpu.memory_space<hbm>> -> memref<64xi32, #tpu.memory_space<hbm>>
      tpu.enqueue_dma source(%dma_start3A_178 : memref<64xi32, #tpu.memory_space<hbm>>) target(%arg8 : memref<64xi32, #tpu.memory_space<vmem>>) target_semaphore(%arg15 : memref<!tpu.dma_semaphore, #tpu.memory_space<semaphore_mem>>)
      %mul3A_179 = arith.constant 64 : i32
      %mul3A_180 = arith.muli %add3A_173, %mul3A_179 : i32
      %add3A_181 = arith.addi %select_n3A_8, %mul3A_180 : i32
      %dma_start3A_182 = tpu.memref_slice %arg4[%add3A_181] : memref<323584xi32, #tpu.memory_space<hbm>> -> memref<64xi32, #tpu.memory_space<hbm>>
      %dma_start3A_183 = tpu.memref_slice %arg4[%add3A_181] : memref<323584xi32, #tpu.memory_space<hbm>> -> memref<64xi32, #tpu.memory_space<hbm>>
      tpu.enqueue_dma source(%dma_start3A_183 : memref<64xi32, #tpu.memory_space<hbm>>) target(%arg10 : memref<64xi32, #tpu.memory_space<vmem>>) target_semaphore(%arg15 : memref<!tpu.dma_semaphore, #tpu.memory_space<semaphore_mem>>)
      %while3A_184 = arith.constant 0 : i32
      scf.yield %while3A_184 : i32
    }
    %while3A_88 = arith.constant 1 : i32
    %while3A_89 = scf.for %while3A_112 = %while3A_85 to %while3A_81 step %while3A_88 iter_args(%while3A_113 = %while3A_87) -> (i32)  : i32 {
      %mul3A_114 = arith.constant 2 : i32
      %mul3A_115 = arith.muli %while3A_112, %mul3A_114 : i32
      %add3A_116 = arith.constant 0 : i32
      %add3A_117 = arith.addi %mul3A_115, %add3A_116 : i32
      %add3A_118 = arith.constant 2 : i32
      %add3A_119 = arith.addi %add3A_117, %add3A_118 : i32
      %sub3A_120 = arith.constant 1 : i32
      %sub3A_121 = arith.subi %add3A_119, %sub3A_120 : i32
      %mul3A_122 = arith.constant 64 : i32
      %mul3A_123 = arith.muli %sub3A_121, %mul3A_122 : i32
      %add3A_124 = arith.addi %select_n3A_8, %mul3A_123 : i32
      %dma_wait3A_125 = tpu.memref_slice %arg3[%add3A_124] : memref<323584xi32, #tpu.memory_space<hbm>> -> memref<64xi32, #tpu.memory_space<hbm>>
      %dma_wait3A_126 = tpu.memref_slice %arg3[%add3A_124] : memref<323584xi32, #tpu.memory_space<hbm>> -> memref<64xi32, #tpu.memory_space<hbm>>
      tpu.wait_dma2 semaphore(%arg15 : memref<!tpu.dma_semaphore, #tpu.memory_space<semaphore_mem>>) src(%dma_wait3A_126 : memref<64xi32, #tpu.memory_space<hbm>>) dst(%arg8 : memref<64xi32, #tpu.memory_space<vmem>>)
      %mul3A_127 = arith.constant 64 : i32
      %mul3A_128 = arith.muli %sub3A_121, %mul3A_127 : i32
      %add3A_129 = arith.addi %select_n3A_8, %mul3A_128 : i32
      %dma_wait3A_130 = tpu.memref_slice %arg4[%add3A_129] : memref<323584xi32, #tpu.memory_space<hbm>> -> memref<64xi32, #tpu.memory_space<hbm>>
      %dma_wait3A_131 = tpu.memref_slice %arg4[%add3A_129] : memref<323584xi32, #tpu.memory_space<hbm>> -> memref<64xi32, #tpu.memory_space<hbm>>
      tpu.wait_dma2 semaphore(%arg15 : memref<!tpu.dma_semaphore, #tpu.memory_space<semaphore_mem>>) src(%dma_wait3A_131 : memref<64xi32, #tpu.memory_space<hbm>>) dst(%arg10 : memref<64xi32, #tpu.memory_space<vmem>>)
      %dma_start3A_132 = arith.constant 0 : i32
      %dma_start3A_133 = arith.constant 0 : i32
      %dma_start3A_134 = tpu.memref_slice %arg2[%dma_start3A_132, %dma_start3A_133] : memref<10000x128xf32, #tpu.memory_space<hbm>> -> memref<10000x128xf32, #tpu.memory_space<hbm>>
      tpu.enqueue_indirect_dma source(%dma_start3A_134 : memref<10000x128xf32, #tpu.memory_space<hbm>>) target(%arg12 : memref<64x128xf32, #tpu.memory_space<vmem>>) offsets(%arg8 : memref<64xi32, #tpu.memory_space<vmem>>) semaphore(%arg17 : memref<!tpu.dma_semaphore, #tpu.memory_space<semaphore_mem>>)
      %dma_wait3A_135 = arith.constant 0 : i32
      %dma_wait3A_136 = arith.constant 0 : i32
      %dma_wait3A_137 = tpu.memref_slice %arg2[%dma_wait3A_135, %dma_wait3A_136] : memref<10000x128xf32, #tpu.memory_space<hbm>> -> memref<10000x128xf32, #tpu.memory_space<hbm>>
      tpu.wait_indirect_dma semaphore(%arg16 : memref<!tpu.dma_semaphore, #tpu.memory_space<semaphore_mem>>) src(%dma_wait3A_137 : memref<10000x128xf32, #tpu.memory_space<hbm>>) dst(%arg11 : memref<64x128xf32, #tpu.memory_space<vmem>>)
      "tpu.region"() ({
        %run_scoped3A = tpu.sem_alloc : memref<!tpu.dma_semaphore, #tpu.memory_space<semaphore_mem>>
        %dma_start3A_185 = arith.constant 0 : i32
        %dma_start3A_186 = arith.constant 0 : i32
        %dma_start3A_187 = tpu.memref_slice %arg13[%dma_start3A_185, %dma_start3A_186] : memref<10240x128xf32, #tpu.memory_space<vmem_shared>> -> memref<10240x128xf32, #tpu.memory_space<vmem_shared>>
        tpu.enqueue_indirect_dma source(%arg11 : memref<64x128xf32, #tpu.memory_space<vmem>>) target(%dma_start3A_187 : memref<10240x128xf32, #tpu.memory_space<vmem_shared>>) offsets(%arg9 : memref<64xi32, #tpu.memory_space<vmem>>) semaphore(%run_scoped3A : memref<!tpu.dma_semaphore, #tpu.memory_space<semaphore_mem>>) {add = true}
        %dma_wait3A_188 = arith.constant 0 : i32
        %dma_wait3A_189 = arith.constant 0 : i32
        %dma_wait3A_190 = tpu.memref_slice %arg13[%dma_wait3A_188, %dma_wait3A_189] : memref<10240x128xf32, #tpu.memory_space<vmem_shared>> -> memref<10240x128xf32, #tpu.memory_space<vmem_shared>>
        tpu.wait_indirect_dma semaphore(%run_scoped3A : memref<!tpu.dma_semaphore, #tpu.memory_space<semaphore_mem>>) src(%arg11 : memref<64x128xf32, #tpu.memory_space<vmem>>) dst(%dma_wait3A_190 : memref<10240x128xf32, #tpu.memory_space<vmem_shared>>)
        tpu.yield
      }) : () -> ()
      "tpu.region"() ({
        %run_scoped3A = tpu.sem_alloc : memref<!tpu.dma_semaphore, #tpu.memory_space<semaphore_mem>>
        %dma_start3A_185 = arith.constant 0 : i32
        %dma_start3A_186 = tpu.memref_slice %arg20[%dma_start3A_185] : memref<10240xf32, #tpu.memory_space<vmem_shared>> -> memref<10240xf32, #tpu.memory_space<vmem_shared>>
        tpu.enqueue_indirect_dma source(%arg18 : memref<64xf32, #tpu.memory_space<vmem>>) target(%dma_start3A_186 : memref<10240xf32, #tpu.memory_space<vmem_shared>>) offsets(%arg9 : memref<64xi32, #tpu.memory_space<vmem>>) semaphore(%run_scoped3A : memref<!tpu.dma_semaphore, #tpu.memory_space<semaphore_mem>>) {add = true}
        %dma_wait3A_187 = arith.constant 0 : i32
        %dma_wait3A_188 = tpu.memref_slice %arg20[%dma_wait3A_187] : memref<10240xf32, #tpu.memory_space<vmem_shared>> -> memref<10240xf32, #tpu.memory_space<vmem_shared>>
        tpu.wait_indirect_dma semaphore(%run_scoped3A : memref<!tpu.dma_semaphore, #tpu.memory_space<semaphore_mem>>) src(%arg18 : memref<64xf32, #tpu.memory_space<vmem>>) dst(%dma_wait3A_188 : memref<10240xf32, #tpu.memory_space<vmem_shared>>)
        tpu.yield
      }) : () -> ()
      %add3A_138 = arith.constant 2 : i32
      %add3A_139 = arith.addi %add3A_117, %add3A_138 : i32
      %mul3A_140 = arith.constant 64 : i32
      %mul3A_141 = arith.muli %add3A_139, %mul3A_140 : i32
      %add3A_142 = arith.addi %select_n3A_8, %mul3A_141 : i32
      %dma_start3A_143 = tpu.memref_slice %arg3[%add3A_142] : memref<323584xi32, #tpu.memory_space<hbm>> -> memref<64xi32, #tpu.memory_space<hbm>>
      %dma_start3A_144 = tpu.memref_slice %arg3[%add3A_142] : memref<323584xi32, #tpu.memory_space<hbm>> -> memref<64xi32, #tpu.memory_space<hbm>>
      tpu.enqueue_dma source(%dma_start3A_144 : memref<64xi32, #tpu.memory_space<hbm>>) target(%arg7 : memref<64xi32, #tpu.memory_space<vmem>>) target_semaphore(%arg14 : memref<!tpu.dma_semaphore, #tpu.memory_space<semaphore_mem>>)
      %mul3A_145 = arith.constant 64 : i32
      %mul3A_146 = arith.muli %add3A_139, %mul3A_145 : i32
      %add3A_147 = arith.addi %select_n3A_8, %mul3A_146 : i32
      %dma_start3A_148 = tpu.memref_slice %arg4[%add3A_147] : memref<323584xi32, #tpu.memory_space<hbm>> -> memref<64xi32, #tpu.memory_space<hbm>>
      %dma_start3A_149 = tpu.memref_slice %arg4[%add3A_147] : memref<323584xi32, #tpu.memory_space<hbm>> -> memref<64xi32, #tpu.memory_space<hbm>>
      tpu.enqueue_dma source(%dma_start3A_149 : memref<64xi32, #tpu.memory_space<hbm>>) target(%arg9 : memref<64xi32, #tpu.memory_space<vmem>>) target_semaphore(%arg14 : memref<!tpu.dma_semaphore, #tpu.memory_space<semaphore_mem>>)
      %add3A_150 = arith.constant 1 : i32
      %add3A_151 = arith.addi %mul3A_115, %add3A_150 : i32
      %add3A_152 = arith.constant 2 : i32
      %add3A_153 = arith.addi %add3A_151, %add3A_152 : i32
      %sub3A_154 = arith.constant 1 : i32
      %sub3A_155 = arith.subi %add3A_153, %sub3A_154 : i32
      %mul3A_156 = arith.constant 64 : i32
      %mul3A_157 = arith.muli %sub3A_155, %mul3A_156 : i32
      %add3A_158 = arith.addi %select_n3A_8, %mul3A_157 : i32
      %dma_wait3A_159 = tpu.memref_slice %arg3[%add3A_158] : memref<323584xi32, #tpu.memory_space<hbm>> -> memref<64xi32, #tpu.memory_space<hbm>>
      %dma_wait3A_160 = tpu.memref_slice %arg3[%add3A_158] : memref<323584xi32, #tpu.memory_space<hbm>> -> memref<64xi32, #tpu.memory_space<hbm>>
      tpu.wait_dma2 semaphore(%arg14 : memref<!tpu.dma_semaphore, #tpu.memory_space<semaphore_mem>>) src(%dma_wait3A_160 : memref<64xi32, #tpu.memory_space<hbm>>) dst(%arg7 : memref<64xi32, #tpu.memory_space<vmem>>)
      %mul3A_161 = arith.constant 64 : i32
      %mul3A_162 = arith.muli %sub3A_155, %mul3A_161 : i32
      %add3A_163 = arith.addi %select_n3A_8, %mul3A_162 : i32
      %dma_wait3A_164 = tpu.memref_slice %arg4[%add3A_163] : memref<323584xi32, #tpu.memory_space<hbm>> -> memref<64xi32, #tpu.memory_space<hbm>>
      %dma_wait3A_165 = tpu.memref_slice %arg4[%add3A_163] : memref<323584xi32, #tpu.memory_space<hbm>> -> memref<64xi32, #tpu.memory_space<hbm>>
      tpu.wait_dma2 semaphore(%arg14 : memref<!tpu.dma_semaphore, #tpu.memory_space<semaphore_mem>>) src(%dma_wait3A_165 : memref<64xi32, #tpu.memory_space<hbm>>) dst(%arg9 : memref<64xi32, #tpu.memory_space<vmem>>)
      %dma_start3A_166 = arith.constant 0 : i32
      %dma_start3A_167 = arith.constant 0 : i32
      %dma_start3A_168 = tpu.memref_slice %arg2[%dma_start3A_166, %dma_start3A_167] : memref<10000x128xf32, #tpu.memory_space<hbm>> -> memref<10000x128xf32, #tpu.memory_space<hbm>>
      tpu.enqueue_indirect_dma source(%dma_start3A_168 : memref<10000x128xf32, #tpu.memory_space<hbm>>) target(%arg11 : memref<64x128xf32, #tpu.memory_space<vmem>>) offsets(%arg7 : memref<64xi32, #tpu.memory_space<vmem>>) semaphore(%arg16 : memref<!tpu.dma_semaphore, #tpu.memory_space<semaphore_mem>>)
      %dma_wait3A_169 = arith.constant 0 : i32
      %dma_wait3A_170 = arith.constant 0 : i32
      %dma_wait3A_171 = tpu.memref_slice %arg2[%dma_wait3A_169, %dma_wait3A_170] : memref<10000x128xf32, #tpu.memory_space<hbm>> -> memref<10000x128xf32, #tpu.memory_space<hbm>>
      tpu.wait_indirect_dma semaphore(%arg17 : memref<!tpu.dma_semaphore, #tpu.memory_space<semaphore_mem>>) src(%dma_wait3A_171 : memref<10000x128xf32, #tpu.memory_space<hbm>>) dst(%arg12 : memref<64x128xf32, #tpu.memory_space<vmem>>)
      "tpu.region"() ({
        %run_scoped3A = tpu.sem_alloc : memref<!tpu.dma_semaphore, #tpu.memory_space<semaphore_mem>>
        %dma_start3A_185 = arith.constant 0 : i32
        %dma_start3A_186 = arith.constant 0 : i32
        %dma_start3A_187 = tpu.memref_slice %arg13[%dma_start3A_185, %dma_start3A_186] : memref<10240x128xf32, #tpu.memory_space<vmem_shared>> -> memref<10240x128xf32, #tpu.memory_space<vmem_shared>>
        tpu.enqueue_indirect_dma source(%arg12 : memref<64x128xf32, #tpu.memory_space<vmem>>) target(%dma_start3A_187 : memref<10240x128xf32, #tpu.memory_space<vmem_shared>>) offsets(%arg10 : memref<64xi32, #tpu.memory_space<vmem>>) semaphore(%run_scoped3A : memref<!tpu.dma_semaphore, #tpu.memory_space<semaphore_mem>>) {add = true}
        %dma_wait3A_188 = arith.constant 0 : i32
        %dma_wait3A_189 = arith.constant 0 : i32
        %dma_wait3A_190 = tpu.memref_slice %arg13[%dma_wait3A_188, %dma_wait3A_189] : memref<10240x128xf32, #tpu.memory_space<vmem_shared>> -> memref<10240x128xf32, #tpu.memory_space<vmem_shared>>
        tpu.wait_indirect_dma semaphore(%run_scoped3A : memref<!tpu.dma_semaphore, #tpu.memory_space<semaphore_mem>>) src(%arg12 : memref<64x128xf32, #tpu.memory_space<vmem>>) dst(%dma_wait3A_190 : memref<10240x128xf32, #tpu.memory_space<vmem_shared>>)
        tpu.yield
      }) : () -> ()
      "tpu.region"() ({
        %run_scoped3A = tpu.sem_alloc : memref<!tpu.dma_semaphore, #tpu.memory_space<semaphore_mem>>
        %dma_start3A_185 = arith.constant 0 : i32
        %dma_start3A_186 = tpu.memref_slice %arg20[%dma_start3A_185] : memref<10240xf32, #tpu.memory_space<vmem_shared>> -> memref<10240xf32, #tpu.memory_space<vmem_shared>>
        tpu.enqueue_indirect_dma source(%arg18 : memref<64xf32, #tpu.memory_space<vmem>>) target(%dma_start3A_186 : memref<10240xf32, #tpu.memory_space<vmem_shared>>) offsets(%arg10 : memref<64xi32, #tpu.memory_space<vmem>>) semaphore(%run_scoped3A : memref<!tpu.dma_semaphore, #tpu.memory_space<semaphore_mem>>) {add = true}
        %dma_wait3A_187 = arith.constant 0 : i32
        %dma_wait3A_188 = tpu.memref_slice %arg20[%dma_wait3A_187] : memref<10240xf32, #tpu.memory_space<vmem_shared>> -> memref<10240xf32, #tpu.memory_space<vmem_shared>>
        tpu.wait_indirect_dma semaphore(%run_scoped3A : memref<!tpu.dma_semaphore, #tpu.memory_space<semaphore_mem>>) src(%arg18 : memref<64xf32, #tpu.memory_space<vmem>>) dst(%dma_wait3A_188 : memref<10240xf32, #tpu.memory_space<vmem_shared>>)
        tpu.yield
      }) : () -> ()
      %add3A_172 = arith.constant 2 : i32
      %add3A_173 = arith.addi %add3A_151, %add3A_172 : i32
      %mul3A_174 = arith.constant 64 : i32
      %mul3A_175 = arith.muli %add3A_173, %mul3A_174 : i32
      %add3A_176 = arith.addi %select_n3A_8, %mul3A_175 : i32
      %dma_start3A_177 = tpu.memref_slice %arg3[%add3A_176] : memref<323584xi32, #tpu.memory_space<hbm>> -> memref<64xi32, #tpu.memory_space<hbm>>
      %dma_start3A_178 = tpu.memref_slice %arg3[%add3A_176] : memref<323584xi32, #tpu.memory_space<hbm>> -> memref<64xi32, #tpu.memory_space<hbm>>
      tpu.enqueue_dma source(%dma_start3A_178 : memref<64xi32, #tpu.memory_space<hbm>>) target(%arg8 : memref<64xi32, #tpu.memory_space<vmem>>) target_semaphore(%arg15 : memref<!tpu.dma_semaphore, #tpu.memory_space<semaphore_mem>>)
      %mul3A_179 = arith.constant 64 : i32
      %mul3A_180 = arith.muli %add3A_173, %mul3A_179 : i32
      %add3A_181 = arith.addi %select_n3A_8, %mul3A_180 : i32
      %dma_start3A_182 = tpu.memref_slice %arg4[%add3A_181] : memref<323584xi32, #tpu.memory_space<hbm>> -> memref<64xi32, #tpu.memory_space<hbm>>
      %dma_start3A_183 = tpu.memref_slice %arg4[%add3A_181] : memref<323584xi32, #tpu.memory_space<hbm>> -> memref<64xi32, #tpu.memory_space<hbm>>
      tpu.enqueue_dma source(%dma_start3A_183 : memref<64xi32, #tpu.memory_space<hbm>>) target(%arg10 : memref<64xi32, #tpu.memory_space<vmem>>) target_semaphore(%arg15 : memref<!tpu.dma_semaphore, #tpu.memory_space<semaphore_mem>>)
      %while3A_184 = arith.constant 0 : i32
      scf.yield %while3A_184 : i32
    }
    %sub3A_90 = arith.constant 1 : i32
    %sub3A_91 = arith.subi %select_n3A, %sub3A_90 : i32
    %mul3A_92 = arith.constant 64 : i32
    %mul3A_93 = arith.muli %sub3A_91, %mul3A_92 : i32
    %add3A_94 = arith.addi %select_n3A_8, %mul3A_93 : i32
    %dma_wait3A_95 = tpu.memref_slice %arg3[%add3A_94] : memref<323584xi32, #tpu.memory_space<hbm>> -> memref<64xi32, #tpu.memory_space<hbm>>
    %dma_wait3A_96 = tpu.memref_slice %arg3[%add3A_94] : memref<323584xi32, #tpu.memory_space<hbm>> -> memref<64xi32, #tpu.memory_space<hbm>>
    tpu.wait_dma2 semaphore(%arg15 : memref<!tpu.dma_semaphore, #tpu.memory_space<semaphore_mem>>) src(%dma_wait3A_96 : memref<64xi32, #tpu.memory_space<hbm>>) dst(%arg8 : memref<64xi32, #tpu.memory_space<vmem>>)
    %mul3A_97 = arith.constant 64 : i32
    %mul3A_98 = arith.muli %sub3A_91, %mul3A_97 : i32
    %add3A_99 = arith.addi %select_n3A_8, %mul3A_98 : i32
    %dma_wait3A_100 = tpu.memref_slice %arg4[%add3A_99] : memref<323584xi32, #tpu.memory_space<hbm>> -> memref<64xi32, #tpu.memory_space<hbm>>
    %dma_wait3A_101 = tpu.memref_slice %arg4[%add3A_99] : memref<323584xi32, #tpu.memory_space<hbm>> -> memref<64xi32, #tpu.memory_space<hbm>>
    tpu.wait_dma2 semaphore(%arg15 : memref<!tpu.dma_semaphore, #tpu.memory_space<semaphore_mem>>) src(%dma_wait3A_101 : memref<64xi32, #tpu.memory_space<hbm>>) dst(%arg10 : memref<64xi32, #tpu.memory_space<vmem>>)
    %dma_start3A_102 = arith.constant 0 : i32
    %dma_start3A_103 = arith.constant 0 : i32
    %dma_start3A_104 = tpu.memref_slice %arg2[%dma_start3A_102, %dma_start3A_103] : memref<10000x128xf32, #tpu.memory_space<hbm>> -> memref<10000x128xf32, #tpu.memory_space<hbm>>
    tpu.enqueue_indirect_dma source(%dma_start3A_104 : memref<10000x128xf32, #tpu.memory_space<hbm>>) target(%arg12 : memref<64x128xf32, #tpu.memory_space<vmem>>) offsets(%arg8 : memref<64xi32, #tpu.memory_space<vmem>>) semaphore(%arg17 : memref<!tpu.dma_semaphore, #tpu.memory_space<semaphore_mem>>)
    %dma_wait3A_105 = arith.constant 0 : i32
    %dma_wait3A_106 = arith.constant 0 : i32
    %dma_wait3A_107 = tpu.memref_slice %arg2[%dma_wait3A_105, %dma_wait3A_106] : memref<10000x128xf32, #tpu.memory_space<hbm>> -> memref<10000x128xf32, #tpu.memory_space<hbm>>
    tpu.wait_indirect_dma semaphore(%arg16 : memref<!tpu.dma_semaphore, #tpu.memory_space<semaphore_mem>>) src(%dma_wait3A_107 : memref<10000x128xf32, #tpu.memory_space<hbm>>) dst(%arg11 : memref<64x128xf32, #tpu.memory_space<vmem>>)
    "tpu.region"() ({
      %run_scoped3A = tpu.sem_alloc : memref<!tpu.dma_semaphore, #tpu.memory_space<semaphore_mem>>
      %dma_start3A_112 = arith.constant 0 : i32
      %dma_start3A_113 = arith.constant 0 : i32
      %dma_start3A_114 = tpu.memref_slice %arg13[%dma_start3A_112, %dma_start3A_113] : memref<10240x128xf32, #tpu.memory_space<vmem_shared>> -> memref<10240x128xf32, #tpu.memory_space<vmem_shared>>
      tpu.enqueue_indirect_dma source(%arg11 : memref<64x128xf32, #tpu.memory_space<vmem>>) target(%dma_start3A_114 : memref<10240x128xf32, #tpu.memory_space<vmem_shared>>) offsets(%arg9 : memref<64xi32, #tpu.memory_space<vmem>>) semaphore(%run_scoped3A : memref<!tpu.dma_semaphore, #tpu.memory_space<semaphore_mem>>) {add = true}
      %dma_wait3A_115 = arith.constant 0 : i32
      %dma_wait3A_116 = arith.constant 0 : i32
      %dma_wait3A_117 = tpu.memref_slice %arg13[%dma_wait3A_115, %dma_wait3A_116] : memref<10240x128xf32, #tpu.memory_space<vmem_shared>> -> memref<10240x128xf32, #tpu.memory_space<vmem_shared>>
      tpu.wait_indirect_dma semaphore(%run_scoped3A : memref<!tpu.dma_semaphore, #tpu.memory_space<semaphore_mem>>) src(%arg11 : memref<64x128xf32, #tpu.memory_space<vmem>>) dst(%dma_wait3A_117 : memref<10240x128xf32, #tpu.memory_space<vmem_shared>>)
      tpu.yield
    }) : () -> ()
    "tpu.region"() ({
      %run_scoped3A = tpu.sem_alloc : memref<!tpu.dma_semaphore, #tpu.memory_space<semaphore_mem>>
      %dma_start3A_112 = arith.constant 0 : i32
      %dma_start3A_113 = tpu.memref_slice %arg20[%dma_start3A_112] : memref<10240xf32, #tpu.memory_space<vmem_shared>> -> memref<10240xf32, #tpu.memory_space<vmem_shared>>
      tpu.enqueue_indirect_dma source(%arg18 : memref<64xf32, #tpu.memory_space<vmem>>) target(%dma_start3A_113 : memref<10240xf32, #tpu.memory_space<vmem_shared>>) offsets(%arg9 : memref<64xi32, #tpu.memory_space<vmem>>) semaphore(%run_scoped3A : memref<!tpu.dma_semaphore, #tpu.memory_space<semaphore_mem>>) {add = true}
      %dma_wait3A_114 = arith.constant 0 : i32
      %dma_wait3A_115 = tpu.memref_slice %arg20[%dma_wait3A_114] : memref<10240xf32, #tpu.memory_space<vmem_shared>> -> memref<10240xf32, #tpu.memory_space<vmem_shared>>
      tpu.wait_indirect_dma semaphore(%run_scoped3A : memref<!tpu.dma_semaphore, #tpu.memory_space<semaphore_mem>>) src(%arg18 : memref<64xf32, #tpu.memory_space<vmem>>) dst(%dma_wait3A_115 : memref<10240xf32, #tpu.memory_space<vmem_shared>>)
      tpu.yield
    }) : () -> ()
    %dma_wait3A_108 = arith.constant 0 : i32
    %dma_wait3A_109 = arith.constant 0 : i32
    %dma_wait3A_110 = tpu.memref_slice %arg2[%dma_wait3A_108, %dma_wait3A_109] : memref<10000x128xf32, #tpu.memory_space<hbm>> -> memref<10000x128xf32, #tpu.memory_space<hbm>>
    tpu.wait_indirect_dma semaphore(%arg17 : memref<!tpu.dma_semaphore, #tpu.memory_space<semaphore_mem>>) src(%dma_wait3A_110 : memref<10000x128xf32, #tpu.memory_space<hbm>>) dst(%arg12 : memref<64x128xf32, #tpu.memory_space<vmem>>)
    "tpu.region"() ({
      %run_scoped3A = tpu.sem_alloc : memref<!tpu.dma_semaphore, #tpu.memory_space<semaphore_mem>>
      %dma_start3A_112 = arith.constant 0 : i32
      %dma_start3A_113 = arith.constant 0 : i32
      %dma_start3A_114 = tpu.memref_slice %arg13[%dma_start3A_112, %dma_start3A_113] : memref<10240x128xf32, #tpu.memory_space<vmem_shared>> -> memref<10240x128xf32, #tpu.memory_space<vmem_shared>>
      tpu.enqueue_indirect_dma source(%arg12 : memref<64x128xf32, #tpu.memory_space<vmem>>) target(%dma_start3A_114 : memref<10240x128xf32, #tpu.memory_space<vmem_shared>>) offsets(%arg10 : memref<64xi32, #tpu.memory_space<vmem>>) semaphore(%run_scoped3A : memref<!tpu.dma_semaphore, #tpu.memory_space<semaphore_mem>>) {add = true}
      %dma_wait3A_115 = arith.constant 0 : i32
      %dma_wait3A_116 = arith.constant 0 : i32
      %dma_wait3A_117 = tpu.memref_slice %arg13[%dma_wait3A_115, %dma_wait3A_116] : memref<10240x128xf32, #tpu.memory_space<vmem_shared>> -> memref<10240x128xf32, #tpu.memory_space<vmem_shared>>
      tpu.wait_indirect_dma semaphore(%run_scoped3A : memref<!tpu.dma_semaphore, #tpu.memory_space<semaphore_mem>>) src(%arg12 : memref<64x128xf32, #tpu.memory_space<vmem>>) dst(%dma_wait3A_117 : memref<10240x128xf32, #tpu.memory_space<vmem_shared>>)
      tpu.yield
    }) : () -> ()
    "tpu.region"() ({
      %run_scoped3A = tpu.sem_alloc : memref<!tpu.dma_semaphore, #tpu.memory_space<semaphore_mem>>
      %dma_start3A_112 = arith.constant 0 : i32
      %dma_start3A_113 = tpu.memref_slice %arg20[%dma_start3A_112] : memref<10240xf32, #tpu.memory_space<vmem_shared>> -> memref<10240xf32, #tpu.memory_space<vmem_shared>>
      tpu.enqueue_indirect_dma source(%arg18 : memref<64xf32, #tpu.memory_space<vmem>>) target(%dma_start3A_113 : memref<10240xf32, #tpu.memory_space<vmem_shared>>) offsets(%arg10 : memref<64xi32, #tpu.memory_space<vmem>>) semaphore(%run_scoped3A : memref<!tpu.dma_semaphore, #tpu.memory_space<semaphore_mem>>) {add = true}
      %dma_wait3A_114 = arith.constant 0 : i32
      %dma_wait3A_115 = tpu.memref_slice %arg20[%dma_wait3A_114] : memref<10240xf32, #tpu.memory_space<vmem_shared>> -> memref<10240xf32, #tpu.memory_space<vmem_shared>>
      tpu.wait_indirect_dma semaphore(%run_scoped3A : memref<!tpu.dma_semaphore, #tpu.memory_space<semaphore_mem>>) src(%arg18 : memref<64xf32, #tpu.memory_space<vmem>>) dst(%dma_wait3A_115 : memref<10240xf32, #tpu.memory_space<vmem_shared>>)
      tpu.yield
    }) : () -> ()
    %barrier3A_111 = arith.constant 0 : index
    tpu.barrier barrier_id(%barrier3A_111)
    "tpu.region"() ({
      %run_scoped3A = tpu.sem_alloc : memref<!tpu.dma_semaphore, #tpu.memory_space<semaphore_mem>>
      %dma_start3A_112 = arith.constant 0 : i32
      %dma_start3A_113 = tpu.memref_slice %arg5[%arg0, %mul3A_26, %dma_start3A_112] : memref<2x10240x128xf32, #tpu.memory_space<hbm>> -> memref<1x640x128xf32, #tpu.memory_space<hbm>>
      %dma_start3A_114 = tpu.memref_squeeze %dma_start3A_113 : memref<1x640x128xf32, #tpu.memory_space<hbm>> -> memref<640x128xf32, #tpu.memory_space<hbm>>
      %dma_start3A_115 = arith.constant 0 : i32
      %dma_start3A_116 = tpu.memref_slice %arg13[%mul3A_26, %dma_start3A_115] : memref<10240x128xf32, #tpu.memory_space<vmem_shared>> -> memref<640x128xf32, #tpu.memory_space<vmem_shared>>
      tpu.enqueue_dma source(%dma_start3A_116 : memref<640x128xf32, #tpu.memory_space<vmem_shared>>) target(%dma_start3A_114 : memref<640x128xf32, #tpu.memory_space<hbm>>) target_semaphore(%run_scoped3A : memref<!tpu.dma_semaphore, #tpu.memory_space<semaphore_mem>>)
      %dma_wait3A_117 = arith.constant 0 : i32
      %dma_wait3A_118 = tpu.memref_slice %arg5[%arg0, %mul3A_26, %dma_wait3A_117] : memref<2x10240x128xf32, #tpu.memory_space<hbm>> -> memref<1x640x128xf32, #tpu.memory_space<hbm>>
      %dma_wait3A_119 = tpu.memref_squeeze %dma_wait3A_118 : memref<1x640x128xf32, #tpu.memory_space<hbm>> -> memref<640x128xf32, #tpu.memory_space<hbm>>
      %dma_wait3A_120 = arith.constant 0 : i32
      %dma_wait3A_121 = tpu.memref_slice %arg13[%mul3A_26, %dma_wait3A_120] : memref<10240x128xf32, #tpu.memory_space<vmem_shared>> -> memref<640x128xf32, #tpu.memory_space<vmem_shared>>
      tpu.wait_dma2 semaphore(%run_scoped3A : memref<!tpu.dma_semaphore, #tpu.memory_space<semaphore_mem>>) src(%dma_wait3A_121 : memref<640x128xf32, #tpu.memory_space<vmem_shared>>) dst(%dma_wait3A_119 : memref<640x128xf32, #tpu.memory_space<hbm>>)
      tpu.yield
    }) : () -> ()
    "tpu.region"() ({
      %run_scoped3A = tpu.sem_alloc : memref<!tpu.dma_semaphore, #tpu.memory_space<semaphore_mem>>
      %dma_start3A_112 = tpu.memref_slice %arg6[%arg0, %mul3A_26] : memref<2x10240xf32, #tpu.memory_space<hbm>> -> memref<1x640xf32, #tpu.memory_space<hbm>>
      %dma_start3A_113 = tpu.memref_squeeze %dma_start3A_112 : memref<1x640xf32, #tpu.memory_space<hbm>> -> memref<640xf32, #tpu.memory_space<hbm>>
      %dma_start3A_114 = tpu.memref_slice %arg20[%mul3A_26] : memref<10240xf32, #tpu.memory_space<vmem_shared>> -> memref<640xf32, #tpu.memory_space<vmem_shared>>
      tpu.enqueue_dma source(%dma_start3A_114 : memref<640xf32, #tpu.memory_space<vmem_shared>>) target(%dma_start3A_113 : memref<640xf32, #tpu.memory_space<hbm>>) target_semaphore(%run_scoped3A : memref<!tpu.dma_semaphore, #tpu.memory_space<semaphore_mem>>)
      %dma_wait3A_115 = tpu.memref_slice %arg6[%arg0, %mul3A_26] : memref<2x10240xf32, #tpu.memory_space<hbm>> -> memref<1x640xf32, #tpu.memory_space<hbm>>
      %dma_wait3A_116 = tpu.memref_squeeze %dma_wait3A_115 : memref<1x640xf32, #tpu.memory_space<hbm>> -> memref<640xf32, #tpu.memory_space<hbm>>
      %dma_wait3A_117 = tpu.memref_slice %arg20[%mul3A_26] : memref<10240xf32, #tpu.memory_space<vmem_shared>> -> memref<640xf32, #tpu.memory_space<vmem_shared>>
      tpu.wait_dma2 semaphore(%run_scoped3A : memref<!tpu.dma_semaphore, #tpu.memory_space<semaphore_mem>>) src(%dma_wait3A_117 : memref<640xf32, #tpu.memory_space<vmem_shared>>) dst(%dma_wait3A_116 : memref<640xf32, #tpu.memory_space<hbm>>)
      tpu.yield
    }) : () -> ()
    return
  }
}

module attributes {stable_mosaic.version = 14 : i64} {
  func.func @body(%arg0: i32, %arg1: memref<2x1000x128xf32, #tpu.memory_space<vmem>>, %arg2: memref<2x1000x1xf32, #tpu.memory_space<vmem>>, %arg3: memref<1000x128xf32, #tpu.memory_space<vmem>>, %arg4: memref<128x128xf32, #tpu.memory_space<vmem>>, %arg5: memref<128x128xf32, #tpu.memory_space<vmem>>, %arg6: memref<1x128xf32, #tpu.memory_space<vmem>>, %arg7: memref<1000x128xf32, #tpu.memory_space<vmem>>) attributes {dimension_semantics = [#tpu.dimension_semantics<arbitrary>], iteration_bounds = array<i64: 10>, scalar_prefetch = 0 : i64, scratch_operands = 0 : i64, tpu.core_type = #tpu.core_type<tc>, window_params = [{transform_indices = @transform_0, window_bounds = array<i64: 2, 1000, 128>}, {transform_indices = @transform_1, window_bounds = array<i64: 2, 1000, 1>}, {transform_indices = @transform_2, window_bounds = array<i64: 1000, 128>}, {pipeline_mode = #tpu.pipeline_mode<synchronous>, transform_indices = @transform_3, window_bounds = array<i64: 128, 128>}, {pipeline_mode = #tpu.pipeline_mode<synchronous>, transform_indices = @transform_4, window_bounds = array<i64: 128, 128>}, {pipeline_mode = #tpu.pipeline_mode<synchronous>, transform_indices = @transform_5, window_bounds = array<i64: 1, 128>}, {transform_indices = @transform_6, window_bounds = array<i64: 1000, 128>}]} {
    %get3A = arith.constant 0 : index
    %get3A_0 = arith.constant 0 : index
    %get3A_1 = arith.constant 0 : index
    %get3A_2 = vector.load %arg1[%get3A, %get3A_0, %get3A_1] : memref<2x1000x128xf32, #tpu.memory_space<vmem>>, vector<1x1000x128xf32>
    %get3A_3 = vector.shape_cast %get3A_2 : vector<1x1000x128xf32> to vector<1000x128xf32>
    %get3A_4 = arith.constant 1 : index
    %get3A_5 = arith.constant 0 : index
    %get3A_6 = arith.constant 0 : index
    %get3A_7 = vector.load %arg1[%get3A_4, %get3A_5, %get3A_6] : memref<2x1000x128xf32, #tpu.memory_space<vmem>>, vector<1x1000x128xf32>
    %get3A_8 = vector.shape_cast %get3A_7 : vector<1x1000x128xf32> to vector<1000x128xf32>
    %add3A = arith.addf %get3A_3, %get3A_8 : vector<1000x128xf32>
    %get3A_9 = arith.constant 0 : index
    %get3A_10 = arith.constant 0 : index
    %get3A_11 = arith.constant 0 : index
    %get3A_12 = vector.load %arg2[%get3A_9, %get3A_10, %get3A_11] : memref<2x1000x1xf32, #tpu.memory_space<vmem>>, vector<1x1000x1xf32>
    %get3A_13 = vector.shape_cast %get3A_12 : vector<1x1000x1xf32> to vector<1000x1xf32>
    %get3A_14 = arith.constant 1 : index
    %get3A_15 = arith.constant 0 : index
    %get3A_16 = arith.constant 0 : index
    %get3A_17 = vector.load %arg2[%get3A_14, %get3A_15, %get3A_16] : memref<2x1000x1xf32, #tpu.memory_space<vmem>>, vector<1x1000x1xf32>
    %get3A_18 = vector.shape_cast %get3A_17 : vector<1x1000x1xf32> to vector<1000x1xf32>
    %add3A_19 = arith.addf %get3A_13, %get3A_18 : vector<1000x1xf32>
    %max3A = arith.constant 1.000000e+00 : f32
    %max3A_20 = vector.broadcast %max3A : f32 to vector<1000x1xf32>
    %max3A_21 = arith.maximumf %add3A_19, %max3A_20 : vector<1000x1xf32>
    %div3A = vector.broadcast %max3A_21 : vector<1000x1xf32> to vector<1000x128xf32>
    %div3A_22 = arith.divf %add3A, %div3A : vector<1000x128xf32>
    %get3A_23 = arith.constant 0 : index
    %get3A_24 = arith.constant 0 : index
    %get3A_25 = vector.load %arg4[%get3A_23, %get3A_24] : memref<128x128xf32, #tpu.memory_space<vmem>>, vector<128x128xf32>
    %dot_general3A = arith.constant dense<0.000000e+00> : vector<1000x128xf32>
    %dot_general3A_26 = tpu.matmul %div3A_22, %get3A_25, %dot_general3A {dimension_numbers = #tpu.dot_dimension_numbers<[1], [0], [0], [1], [0, 0, 1, 1], [], []>, transpose_lhs_hint = false} : vector<1000x128xf32>, vector<128x128xf32>, vector<1000x128xf32> -> vector<1000x128xf32>
    %get3A_27 = arith.constant 0 : index
    %get3A_28 = arith.constant 0 : index
    %get3A_29 = vector.load %arg3[%get3A_27, %get3A_28] : memref<1000x128xf32, #tpu.memory_space<vmem>>, vector<1000x128xf32>
    %get3A_30 = arith.constant 0 : index
    %get3A_31 = arith.constant 0 : index
    %get3A_32 = vector.load %arg5[%get3A_30, %get3A_31] : memref<128x128xf32, #tpu.memory_space<vmem>>, vector<128x128xf32>
    %dot_general3A_33 = arith.constant dense<0.000000e+00> : vector<1000x128xf32>
    %dot_general3A_34 = tpu.matmul %get3A_29, %get3A_32, %dot_general3A_33 {dimension_numbers = #tpu.dot_dimension_numbers<[1], [0], [0], [1], [0, 0, 1, 1], [], []>, transpose_lhs_hint = false} : vector<1000x128xf32>, vector<128x128xf32>, vector<1000x128xf32> -> vector<1000x128xf32>
    %add3A_35 = arith.addf %dot_general3A_26, %dot_general3A_34 : vector<1000x128xf32>
    %get3A_36 = arith.constant 0 : index
    %get3A_37 = arith.constant 0 : index
    %get3A_38 = vector.load %arg6[%get3A_36, %get3A_37] : memref<1x128xf32, #tpu.memory_space<vmem>>, vector<1x128xf32>
    %add3A_39 = vector.broadcast %get3A_38 : vector<1x128xf32> to vector<1000x128xf32>
    %add3A_40 = arith.addf %add3A_35, %add3A_39 : vector<1000x128xf32>
    %max3A_41 = arith.constant 0.000000e+00 : f32
    %max3A_42 = vector.broadcast %max3A_41 : f32 to vector<1000x128xf32>
    %max3A_43 = arith.maximumf %add3A_40, %max3A_42 : vector<1000x128xf32>
    %swap3A = arith.constant 0 : index
    %swap3A_44 = arith.constant 0 : index
    %swap3A_45 = vector.load %arg7[%swap3A, %swap3A_44] : memref<1000x128xf32, #tpu.memory_space<vmem>>, vector<1000x128xf32>
    tpu.vector_store %arg7[%swap3A, %swap3A_44], %max3A_43 {strides = array<i32>} : memref<1000x128xf32, #tpu.memory_space<vmem>>, vector<1000x128xf32>,
    return
  }
  func.func @transform_0(%arg0: i32) -> (i32, i32, i32) {
    %c0_i32 = arith.constant 0 : i32
    %c0_i32_0 = arith.constant 0 : i32
    %c0_i32_1 = arith.constant 0 : i32
    return %c0_i32, %arg0, %c0_i32_0 : i32, i32, i32
  }
  func.func @transform_1(%arg0: i32) -> (i32, i32, i32) {
    %c0_i32 = arith.constant 0 : i32
    %c0_i32_0 = arith.constant 0 : i32
    %c0_i32_1 = arith.constant 0 : i32
    return %c0_i32, %arg0, %c0_i32_0 : i32, i32, i32
  }
  func.func @transform_2(%arg0: i32) -> (i32, i32) {
    %c0_i32 = arith.constant 0 : i32
    %c0_i32_0 = arith.constant 0 : i32
    return %arg0, %c0_i32 : i32, i32
  }
  func.func @transform_3(%arg0: i32) -> (i32, i32) {
    %c0_i32 = arith.constant 0 : i32
    %c0_i32_0 = arith.constant 0 : i32
    %c0_i32_1 = arith.constant 0 : i32
    return %c0_i32, %c0_i32_0 : i32, i32
  }
  func.func @transform_4(%arg0: i32) -> (i32, i32) {
    %c0_i32 = arith.constant 0 : i32
    %c0_i32_0 = arith.constant 0 : i32
    %c0_i32_1 = arith.constant 0 : i32
    return %c0_i32, %c0_i32_0 : i32, i32
  }
  func.func @transform_5(%arg0: i32) -> (i32, i32) {
    %c0_i32 = arith.constant 0 : i32
    %c0_i32_0 = arith.constant 0 : i32
    %c0_i32_1 = arith.constant 0 : i32
    return %c0_i32, %c0_i32_0 : i32, i32
  }
  func.func @transform_6(%arg0: i32) -> (i32, i32) {
    %c0_i32 = arith.constant 0 : i32
    %c0_i32_0 = arith.constant 0 : i32
    return %arg0, %c0_i32 : i32, i32
  }
}

module attributes {stable_mosaic.version = 14 : i64} {
  func.func @body(%arg0: i32, %arg1: memref<2x1000x128xf32, #tpu.memory_space<vmem>>, %arg2: memref<2x1000x1xf32, #tpu.memory_space<vmem>>, %arg3: memref<1000x128xf32, #tpu.memory_space<vmem>>, %arg4: memref<128x128xf32, #tpu.memory_space<vmem>>, %arg5: memref<128x128xf32, #tpu.memory_space<vmem>>, %arg6: memref<1x128xf32, #tpu.memory_space<vmem>>, %arg7: memref<1000x128xf32, #tpu.memory_space<vmem>>) attributes {dimension_semantics = [#tpu.dimension_semantics<arbitrary>], iteration_bounds = array<i64: 10>, scalar_prefetch = 0 : i64, scratch_operands = 0 : i64, tpu.core_type = #tpu.core_type<tc>, window_params = [{transform_indices = @transform_0, window_bounds = array<i64: 2, 1000, 128>}, {transform_indices = @transform_1, window_bounds = array<i64: 2, 1000, 1>}, {transform_indices = @transform_2, window_bounds = array<i64: 1000, 128>}, {pipeline_mode = #tpu.pipeline_mode<synchronous>, transform_indices = @transform_3, window_bounds = array<i64: 128, 128>}, {pipeline_mode = #tpu.pipeline_mode<synchronous>, transform_indices = @transform_4, window_bounds = array<i64: 128, 128>}, {pipeline_mode = #tpu.pipeline_mode<synchronous>, transform_indices = @transform_5, window_bounds = array<i64: 1, 128>}, {transform_indices = @transform_6, window_bounds = array<i64: 1000, 128>}]} {
    %get3A = arith.constant 0 : index
    %get3A_0 = arith.constant 0 : index
    %get3A_1 = arith.constant 0 : index
    %get3A_2 = vector.load %arg1[%get3A, %get3A_0, %get3A_1] : memref<2x1000x128xf32, #tpu.memory_space<vmem>>, vector<1x1000x128xf32>
    %get3A_3 = vector.shape_cast %get3A_2 : vector<1x1000x128xf32> to vector<1000x128xf32>
    %get3A_4 = arith.constant 1 : index
    %get3A_5 = arith.constant 0 : index
    %get3A_6 = arith.constant 0 : index
    %get3A_7 = vector.load %arg1[%get3A_4, %get3A_5, %get3A_6] : memref<2x1000x128xf32, #tpu.memory_space<vmem>>, vector<1x1000x128xf32>
    %get3A_8 = vector.shape_cast %get3A_7 : vector<1x1000x128xf32> to vector<1000x128xf32>
    %add3A = arith.addf %get3A_3, %get3A_8 : vector<1000x128xf32>
    %get3A_9 = arith.constant 0 : index
    %get3A_10 = arith.constant 0 : index
    %get3A_11 = arith.constant 0 : index
    %get3A_12 = vector.load %arg2[%get3A_9, %get3A_10, %get3A_11] : memref<2x1000x1xf32, #tpu.memory_space<vmem>>, vector<1x1000x1xf32>
    %get3A_13 = vector.shape_cast %get3A_12 : vector<1x1000x1xf32> to vector<1000x1xf32>
    %get3A_14 = arith.constant 1 : index
    %get3A_15 = arith.constant 0 : index
    %get3A_16 = arith.constant 0 : index
    %get3A_17 = vector.load %arg2[%get3A_14, %get3A_15, %get3A_16] : memref<2x1000x1xf32, #tpu.memory_space<vmem>>, vector<1x1000x1xf32>
    %get3A_18 = vector.shape_cast %get3A_17 : vector<1x1000x1xf32> to vector<1000x1xf32>
    %add3A_19 = arith.addf %get3A_13, %get3A_18 : vector<1000x1xf32>
    %max3A = arith.constant 1.000000e+00 : f32
    %max3A_20 = vector.broadcast %max3A : f32 to vector<1000x1xf32>
    %max3A_21 = arith.maximumf %add3A_19, %max3A_20 : vector<1000x1xf32>
    %div3A = vector.broadcast %max3A_21 : vector<1000x1xf32> to vector<1000x128xf32>
    %div3A_22 = arith.divf %add3A, %div3A : vector<1000x128xf32>
    %get3A_23 = arith.constant 0 : index
    %get3A_24 = arith.constant 0 : index
    %get3A_25 = vector.load %arg4[%get3A_23, %get3A_24] : memref<128x128xf32, #tpu.memory_space<vmem>>, vector<128x128xf32>
    %dot_general3A = arith.constant dense<0.000000e+00> : vector<1000x128xf32>
    %dot_general3A_26 = tpu.matmul %div3A_22, %get3A_25, %dot_general3A {dimension_numbers = #tpu.dot_dimension_numbers<[1], [0], [0], [1], [0, 0, 1, 1], [], []>, transpose_lhs_hint = false} : vector<1000x128xf32>, vector<128x128xf32>, vector<1000x128xf32> -> vector<1000x128xf32>
    %get3A_27 = arith.constant 0 : index
    %get3A_28 = arith.constant 0 : index
    %get3A_29 = vector.load %arg3[%get3A_27, %get3A_28] : memref<1000x128xf32, #tpu.memory_space<vmem>>, vector<1000x128xf32>
    %get3A_30 = arith.constant 0 : index
    %get3A_31 = arith.constant 0 : index
    %get3A_32 = vector.load %arg5[%get3A_30, %get3A_31] : memref<128x128xf32, #tpu.memory_space<vmem>>, vector<128x128xf32>
    %dot_general3A_33 = arith.constant dense<0.000000e+00> : vector<1000x128xf32>
    %dot_general3A_34 = tpu.matmul %get3A_29, %get3A_32, %dot_general3A_33 {dimension_numbers = #tpu.dot_dimension_numbers<[1], [0], [0], [1], [0, 0, 1, 1], [], []>, transpose_lhs_hint = false} : vector<1000x128xf32>, vector<128x128xf32>, vector<1000x128xf32> -> vector<1000x128xf32>
    %add3A_35 = arith.addf %dot_general3A_26, %dot_general3A_34 : vector<1000x128xf32>
    %get3A_36 = arith.constant 0 : index
    %get3A_37 = arith.constant 0 : index
    %get3A_38 = vector.load %arg6[%get3A_36, %get3A_37] : memref<1x128xf32, #tpu.memory_space<vmem>>, vector<1x128xf32>
    %add3A_39 = vector.broadcast %get3A_38 : vector<1x128xf32> to vector<1000x128xf32>
    %add3A_40 = arith.addf %add3A_35, %add3A_39 : vector<1000x128xf32>
    %swap3A = arith.constant 0 : index
    %swap3A_41 = arith.constant 0 : index
    %swap3A_42 = vector.load %arg7[%swap3A, %swap3A_41] : memref<1000x128xf32, #tpu.memory_space<vmem>>, vector<1000x128xf32>
    tpu.vector_store %arg7[%swap3A, %swap3A_41], %add3A_40 {strides = array<i32>} : memref<1000x128xf32, #tpu.memory_space<vmem>>, vector<1000x128xf32>,
    return
  }
  func.func @transform_0(%arg0: i32) -> (i32, i32, i32) {
    %c0_i32 = arith.constant 0 : i32
    %c0_i32_0 = arith.constant 0 : i32
    %c0_i32_1 = arith.constant 0 : i32
    return %c0_i32, %arg0, %c0_i32_0 : i32, i32, i32
  }
  func.func @transform_1(%arg0: i32) -> (i32, i32, i32) {
    %c0_i32 = arith.constant 0 : i32
    %c0_i32_0 = arith.constant 0 : i32
    %c0_i32_1 = arith.constant 0 : i32
    return %c0_i32, %arg0, %c0_i32_0 : i32, i32, i32
  }
  func.func @transform_2(%arg0: i32) -> (i32, i32) {
    %c0_i32 = arith.constant 0 : i32
    %c0_i32_0 = arith.constant 0 : i32
    return %arg0, %c0_i32 : i32, i32
  }
  func.func @transform_3(%arg0: i32) -> (i32, i32) {
    %c0_i32 = arith.constant 0 : i32
    %c0_i32_0 = arith.constant 0 : i32
    %c0_i32_1 = arith.constant 0 : i32
    return %c0_i32, %c0_i32_0 : i32, i32
  }
  func.func @transform_4(%arg0: i32) -> (i32, i32) {
    %c0_i32 = arith.constant 0 : i32
    %c0_i32_0 = arith.constant 0 : i32
    %c0_i32_1 = arith.constant 0 : i32
    return %c0_i32, %c0_i32_0 : i32, i32
  }
  func.func @transform_5(%arg0: i32) -> (i32, i32) {
    %c0_i32 = arith.constant 0 : i32
    %c0_i32_0 = arith.constant 0 : i32
    %c0_i32_1 = arith.constant 0 : i32
    return %c0_i32, %c0_i32_0 : i32, i32
  }
  func.func @transform_6(%arg0: i32) -> (i32, i32) {
    %c0_i32 = arith.constant 0 : i32
    %c0_i32_0 = arith.constant 0 : i32
    return %arg0, %c0_i32 : i32, i32
  }
}

</mosaic_0001>

<sc_bundles>
// kernel: kernel.6.cloned.1.call-start
scs
__scs_entry_jumppad:
0x0: {  	(pc) =	sbr.rel $0x88, $3  }
0x1: {  	(tag) =	ssettag $0x0;
	lr =	simm.s32 $0x1  }
0x2: {  	[smem:$0x3F99] =	sst lr;
	_ =	strace $0xD0000000  }
0x3: {  	_ = 	snop  }
0x4: {  	_ = 	snop  }
0x5: {  	_ = 	snop  }
0x6: {  	_ = 	snop  }
0x7: {  	_ = 	snop  }
__scs_overlays_trampoline_lowered:
0x8: {  	[smem:$0x3FA8] =	sst s0  }
0x9: {  	[smem:$0x3FA9] =	sst s1  }
0xa: {  	[smem:$0x3FAA] =	sst s2  }
0xb: {  	[smem:$0x3FAB] =	sst s3  }
0xc: {  	[smem:$0x3FAC] =	sst s4  }
0xd: {  	[smem:$0x3FAD] =	sst s5  }
0xe: {  	[smem:$0x3FAE] =	sst s6  }
0xf: {  	[smem:$0x3FAF] =	sst s7  }
0x10: {  	[smem:$0x3FB0] =	sst s8  }
0x11: {  	[smem:$0x3FB1] =	sst s9;
	s0 =	simm.s32 @!p0 $0x0  }
0x12: {  	s1 =	sld [smem:$0x3F97];
	s0 =	simm.s32 @p0 $0x1  }
0x13: {  	[smem:$0x3FB2] =	sst s0;
	s0 =	simm.s32 @!p1 $0x0  }
0x14: {  	s2 =	sld [smem:$0x3F96];
	s0 =	simm.s32 @p1 $0x1  }
0x15: {  	[smem:$0x3FB3] =	sst s0;
	s0 =	simm.s32 @!p2 $0x0  }
0x16: {  	s3 =	sld [smem:$0x3FDB];
	s0 =	simm.s32 @p2 $0x1  }
0x17: {  	s4 =	simm.s32 $0x1BF5;
	[smem:$0x3FB5] =	sst s0  }
0x18: {  	s0 =	sld [smem:$0x3F98];
	_ =	swait.ge [sflag:s4], $0x0  }
0x19: {  	s7 =	sld [smem:$0x3F99]  }
0x1a: {  	s8 =	sadd.s32 $0xFFFFE003, lr  }
0x1b: {  	s9 =	sadd.s32 $0xFFFFFEF7, lr;
	s5 =	simm.s32 $0xFFFFFFFF;
	p2 =	slt.u32 s8, $0xFFFFF086  }
0x1c: {  	p1 =	slt.u32 s9, $0xF7A;
	s5 =	simm.s32 @!p2 $0x0  }
0x1d: {  	s5 =	simm.s32 @p1 $0x1;
	p0 =	seq.s32 s7, s2  }
0x1e: {  	s7 =	smul.u32 @!p0 $0xF7A, s2;
	p2 =	seq.s32 @!p0 s5, $0x0  }
0x1f: {  	s9 =	smul.u32 $0xF7A, s1;
	s8 =	simm.s32 @!p0 $0x1BF5;
	p2 =	por !p2, p0  }
0x20: {  	[sflag:s8] =	ssyncset.s32 @!p0 $0xFFFFF086;
	s6 =	sadd.s32 @!p0 s3, s7;
	s7 =	simm.s32 @!p0 $0x108  }
0x21: {  	s3 =	sadd.s32 s3, s9;
	s6 =	sadd.s32 @!p0 $0x88, s6;
	s7 =	simm.s32 @p2 $0x1082  }
0x22: {  	[simem:s7], [sflag:s8] =	dma.local @!p0 [hbm:s6], $0xF7A  }
0x23: {  	s9 =	sor.u32 $0xD0000000, s2;
	s6 =	simm.s32 $0x108;
	_ =	swait.ge @!p0 [sflag:s8], $0x0  }
0x24: {  	s3 =	sadd.s32 $0x88, s3;
	s6 =	simm.s32 @!p1 $0x1082;
	[sflag:s4] =	ssyncset.s32 $0xFFFFF086  }
0x25: {  	[simem:s6], [sflag:s4] =	dma.local [hbm:s3], $0xF7A  }
0x26: {  	[smem:$0x3F99] =	sst s1;
	(tag) =	ssettag s2;
	_ =	strace s9  }
0x27: {  	s1 =	sld [smem:$0x3FA9]  }
0x28: {  	s2 =	sld [smem:$0x3FAA]  }
0x29: {  	s4 =	sld [smem:$0x3FAC]  }
0x2a: {  	p0 =	seq.s32 s5, $0x0;
	s5 =	sld [smem:$0x3FAD]  }
0x2b: {  	s6 =	sld [smem:$0x3FAE]  }
0x2c: {  	s7 =	sld [smem:$0x3FAF]  }
0x2d: {  	s3 =	simm.s32 $0x108;
	s8 =	sld [smem:$0x3FB0]  }
0x2e: {  	s3 =	simm.s32 @!p0 $0x1082;
	s9 =	sld [smem:$0x3FB1]  }
0x2f: {  	lr =	sadd.s32 s0, s3;
	s0 =	sld [smem:$0x3FA8]  }
0x30: {  	s3 =	sld [smem:$0x3FAB]  }
0x31: {  	[smem:$0x3FB4] =	sst s10  }
0x32: {  	s10 =	sld [smem:$0x3FB2];
	_ =	sdelay $0x3  }
0x33: {  	p0 =	seq.s32 s10, $0x1;
	s10 =	sld [smem:$0x3FB4];
	_ =	sdelay $0x3  }
0x34: {  	[smem:$0x3FB4] =	sst s10  }
0x35: {  	s10 =	sld [smem:$0x3FB3];
	_ =	sdelay $0x3  }
0x36: {  	p1 =	seq.s32 s10, $0x1;
	s10 =	sld [smem:$0x3FB4];
	_ =	sdelay $0x3  }
0x37: {  	[smem:$0x3FB4] =	sst s10  }
0x38: {  	s10 =	sld [smem:$0x3FB5]  }
0x39: {  	_ = 	snop;
	(pc) =	sbr.ind lr, $3  }
0x3a: {  	_ = 	snop  }
0x3b: {  	_ = 	snop  }
0x3c: {  	p2 =	seq.s32 s10, $0x1;
	s10 =	sld [smem:$0x3FB4]  }
0x3d: {  	_ =	shalt  }
0x3e: {  	_ =	shalt  }
0x3f: {  	_ =	shalt  }
0x40: {  	_ =	shalt  }
0x41: {  	_ =	shalt  }
0x42: {  	_ =	shalt  }
0x43: {  	_ =	shalt  }
0x44: {  	_ =	shalt  }
0x45: {  	_ =	shalt  }
0x46: {  	_ =	shalt  }
0x47: {  	_ =	shalt  }
0x48: {  	_ =	shalt  }
0x49: {  	_ =	shalt  }
0x4a: {  	_ =	shalt  }
0x4b: {  	_ =	shalt  }
0x4c: {  	_ =	shalt  }
0x4d: {  	_ =	shalt  }
0x4e: {  	_ =	shalt  }
0x4f: {  	_ =	shalt  }
0x50: {  	_ =	shalt  }
0x51: {  	_ =	shalt  }
0x52: {  	_ =	shalt  }
0x53: {  	_ =	shalt  }
0x54: {  	_ =	shalt  }
0x55: {  	_ =	shalt  }
0x56: {  	_ =	shalt  }
0x57: {  	_ =	shalt  }
0x58: {  	_ =	shalt  }
0x59: {  	_ =	shalt  }
0x5a: {  	_ =	shalt  }
0x5b: {  	_ =	shalt  }
0x5c: {  	_ =	shalt  }
0x5d: {  	_ =	shalt  }
0x5e: {  	_ =	shalt  }
0x5f: {  	_ =	shalt  }
0x60: {  	_ =	shalt  }
0x61: {  	_ =	shalt  }
0x62: {  	_ =	shalt  }
0x63: {  	_ =	shalt  }
0x64: {  	_ =	shalt  }
0x65: {  	_ =	shalt  }
0x66: {  	_ =	shalt  }
0x67: {  	_ =	shalt  }
0x68: {  	_ =	shalt  }
0x69: {  	_ =	shalt  }
0x6a: {  	_ =	shalt  }
0x6b: {  	_ =	shalt  }
0x6c: {  	_ =	shalt  }
0x6d: {  	_ =	shalt  }
0x6e: {  	_ =	shalt  }
0x6f: {  	_ =	shalt  }
0x70: {  	_ =	shalt  }
0x71: {  	_ =	shalt  }
0x72: {  	_ =	shalt  }
0x73: {  	_ =	shalt  }
0x74: {  	_ =	shalt  }
0x75: {  	_ =	shalt  }
0x76: {  	_ =	shalt  }
0x77: {  	_ =	shalt  }
0x78: {  	_ =	shalt  }
0x79: {  	_ =	shalt  }
0x7a: {  	_ =	shalt  }
0x7b: {  	_ =	shalt  }
0x7c: {  	_ =	shalt  }
0x7d: {  	_ =	shalt  }
0x7e: {  	_ =	shalt  }
0x7f: {  	_ =	shalt  }
0x80: {  	_ =	shalt  }
0x81: {  	_ =	shalt  }
0x82: {  	_ =	shalt  }
0x83: {  	_ =	shalt  }
0x84: {  	_ =	shalt  }
0x85: {  	_ =	shalt  }
0x86: {  	_ =	shalt  }
0x87: {  	_ =	shalt  }
.Lfunc_end0:
.L_simem_size_0:
called_computation_lowered:
.L_overlay_start_0:
0x88: {  	s2 =	sld [smem:$0x3FD9]  }
0x89: {  	s3 =	sld [smem:$0x3FFE];
	_ =	sdelay $0x1  }
0x8a: {  	s1 =	srdreg.scid  }
0x8b: {  	s0 =	sand.u32 $0x1, s1  }
0x8c: {  	s17 =	sshll.u32 s0, $0xA;
	s2 =	sadd.s32 s3, s2  }
0x8d: {  	s2 =	sadd.s32 s2, s17  }
0x8e: {  	[smem:$0x3FC0] =	sst s2  }
0x8f: {  	_ = 	snop  }
0x90: {  	s2 =	sld [smem:$0x3FC9]  }
0x91: {  	s18 =	sld [smem:$0x3FD0];
	(tm) =	ssettm $0x1  }
0x92: {  	s4 =	sld [smem:$0x3FFB];
	_ =	sdelay $0x3  }
0x93: {  	_ =	strace s4  }
0x94: {  	s4 =	sld [smem:$0x3FFC];
	_ =	sdelay $0x3  }
0x95: {  	_ =	strace s4  }
0x96: {  	s4 =	sld [smem:$0x3FFD];
	_ =	sdelay $0x3  }
0x97: {  	_ =	strace s4  }
0x98: {  	_ =	strace $0x8FFFFFFF  }
0x99: {  	s19 =	sld [smem:$0x3FDB];
	_ =	sdelay $0x1  }
0x9a: {  	s5 =	simm.s32 $_scs_section_size  }
0x9b: {  	s6 =	simm.s32 $_size__tile_overlayer_lowered;
	s7 =	simm.s32 $_tile_overlayer_lowered  }
0x9c: {  	s22 =	simm.s32 $0x1BFF;
	s21 =	sshll.u32 s7, $0x1;
	s4 =	sadd.s32 s5, s19  }
0x9d: {  	s8 =	simm.s32 $0x0;
	s20 =	sshll.u32 s6, $0x1;
	s6 =	sadd.s32 s21, s4  }
0x9e: {  	[timem:s8], [sflag:s22] =	dma.local [hbm:s6], s20  }
0x9f: {  	_ =	swait.ge [sflag:s22], s20  }
0xa0: {  	s5 =	ssub.s32 $0x0, s20;
	[sflag:s22] =	ssyncset.done $0x0  }
0xa1: {  	[sflag:s22] =	ssyncadd.s32 s5;
	_ =	sdelay $0x1  }
0xa2: {  	s23 =	simm.s32 $0x1B8B  }
0xa3: {  	_ =	swait.ge [sflag:s23], $0x1  }
0xa4: {  	[sflag:s23] =	ssyncset.done $0x0  }
0xa5: {  	s25 =	simm.s32 $0x1B8E;
	s24 =	sld [smem:$0x3FFE];
	[sflag:s23] =	ssyncadd.s32 $0xFFFFFFFF  }
0xa6: {  	s26 =	simm.s32 $execute0_lowered;
	[smem:$0x3FD2] =	sst s25  }
0xa7: {  	s6 =	sshll.u32 s26, $0x1;
	_ =	strace $0x80000046;
	[dreg:$0x1] =	wrdreg $0xFFFFFFFF  }
0xa8: {  	s28 =	simm.s32 $_size_execute0_lowered;
	s4 =	sadd.s32 s4, s6;
	[dreg:$0x0] =	wrdreg $0x0  }
0xa9: {  	s6 =	sshll.u32 s28, $0x1;
	[dreg:$0x2] =	wrdreg s4  }
0xaa: {  	[dreg:$0x3] =	wrdreg s6  }
0xab: {  	[dreg:$0x4] =	wrdreg $0xC0  }
0xac: {  	_ =	task [dreg:s8], $0x5FFFF  }
0xad: {  	[dreg:$0x1] =	wrdreg $0xFFFFFFFF  }
0xae: {  	[dreg:$0x0] =	wrdreg $0x60  }
0xaf: {  	[dreg:$0x2] =	wrdreg s2  }
0xb0: {  	[dreg:$0x3] =	wrdreg s24  }
0xb1: {  	[dreg:$0x4] =	wrdreg s18  }
0xb2: {  	[dreg:$0x5] =	wrdreg $0x42000  }
0xb3: {  	[dreg:$0x6] =	wrdreg $0x183000  }
0xb4: {  	[dreg:$0x7] =	wrdreg $0x9  }
0xb5: {  	_ =	task.clear_ibuf [dreg:s8], $0x8FFFF;
	_ =	strace $0x90000046  }
0xb6: {  	s29 =	simm.s32 $0x9;
	_ =	strace $0x80000048  }
0xb7: {  	_ =	swait.ge [sflag:s29], $0x1  }
0xb8: {  	[sflag:s29] =	ssyncadd.s32 $0xFFFFFFFF  }
0xb9: {  	_ =	strace $0x90000048  }
0xba: {  	_ =	sfence  }
0xbb: {  	s30 =	sld [smem:$0x0];
	_ =	sdelay $0x2  }
0xbc: {  	s31 =	sshll.u32 s1, $0xD;
	s1 =	sshrl.u32 s1, $0x2  }
0xbd: {  	s3 =	sand.u32 $0x4000, s31;
	s1 =	sadd.s32 s1, s30  }
0xbe: {  	s0 =	sor.u32 s3, s0;
	s1 =	sshll.u32 s1, $0x11  }
0xbf: {  	s0 =	sor.u32 s1, s0  }
0xc0: {  	s0 =	sadd.s32 $0x8F2B, s0  }
0xc1: {  	[sflag:s0] =	ssyncadd.remote.s32 $0x1  }
0xc2: {  	_ =	sfence.sel $0xFFFF  }
0xc3: {  	[dreg:$0x0] =	wrdreg $0xFFFFFFFF;
	(pc) =	sbr.abs _section_cstart, $3  }
0xc4: {  	[dreg:$0x1] =	wrdreg $0xFFFFFFFF  }
0xc5: {  	_ =	task.clear_ibuf [dreg:s8], $0x2FFFF;
	_ =	strace $0x9FFFFFFF  }
0xc6: {  	(tm) =	ssettm $0x7FFFFFFF  }
0xc7: {  	_ =	shalt  }
tec
execute0_lowered:
.L_overlay_start_1:
0x0: {  	(tag) =	ssettag $0x1  }
0x1: {  	s0 =	rddreg [dreg:$0x0]  }
0x2: {  	s1 =	rddreg [dreg:$0x1]  }
0x3: {  	s2 =	rddreg [dreg:$0x2]  }
0x4: {  	s3 =	rddreg [dreg:$0x3]  }
0x5: {  	s5 =	srdreg.scid;
	s15 =	stileid.u32  }
0x6: {  	s4 =	rddreg [dreg:$0x4];
	s28 =	simm.s32 $0x4;
	s9 =	smul.u32 $0x14000, s15  }
0x7: {  	s30 =	simm.s32 $0x0;
	s8 =	sand.u32 $0x1, s5;
	s10 =	smul.u32 $0x1D00, s15  }
0x8: {  	s5 =	simm.s32 $0x0;
	s6 =	sadd.s32 $0xBE00, s1;
	s11 =	smul.u32 $0x3200, s15  }
0x9: {  	s7 =	smul.u32 $0x140000, s8;
	[smem:$0x7FF] =	sst s5;
	p0 =	seq.s32 s8, $0x0  }
0xa: {  	s26 =	ssub.s32 $0x2, s8;
	s8 =	sshll.u32 s8, $0x7;
	_ =	strace $0x80000047  }
0xb: {  	s10 =	sadd.s32 $0x32000, s10;
	s31 =	sshrl.u32 s26, $0x1;
	s9 =	sadd.s32 s9, s7  }
0xc: {  	s7 =	sadd.s32 $0x2000, s1;
	s10 =	smov.u32 @p0 s11;
	s11 =	smul.u32 $0x280, s15  }
0xd: {  	s9 =	sshrl.u32 s9, $0x3;
	s14 =	sshrl.u32 s10, $0x3;
	s10 =	ssub.s32 s26, s31  }
0xe: {  	s1 =	sadd.s32 s9, s1;
	s12 =	sor.u32 $0x8, s14;
	s9 =	simm.s32 $0x63  }
0xf: {  	s18 =	sor.u32 $0x40, s11;
	s19 =	smax.u32 s10, $0x1;
	s21 =	sadd.s32 $0x80, s11  }
0x10: {  	s23 =	sadd.s32 $0xC0, s11;
	s31 =	sadd.s32 $0x100, s11;
	s29 =	sadd.s32 s11, s4  }
0x11: {  	s13 =	sadd.s32 s6, s12;
	s12 =	sadd.s32 s7, s12;
	s9 =	simm.s32 @!p0 $0x39  }
0x12: {  	s1 =	sadd.s32 $0x15C00, s1;
	[dreg:$0xa] =	wrdreg s19;
	s20 =	sshll.u32 s18, $0x7  }
0x13: {  	s22 =	sshll.u32 s21, $0x7;
	s25 =	sshll.u32 s23, $0x7;
	[dreg:$0x6] =	wrdreg s13  }
0x14: {  	s26 =	sadd.s32 s21, s4;
	s10 =	sshll.u32 s31, $0x7;
	[dreg:$0x7] =	wrdreg s12  }
0x15: {  	s21 =	sadd.s32 $0x200, s11;
	s13 =	smul.u32 $0x500, s15;
	[dreg:$0x8] =	wrdreg s1  }
0x16: {  	s15 =	smul.u32 $0x50000, s15;
	s1 =	sadd.s32 s18, s4;
	[dreg:$0xe] =	wrdreg s26  }
0x17: {  	s24 =	sadd.s32 s22, s3;
	s22 =	sadd.s32 $0x240, s11;
	[dreg:$0xc] =	wrdreg s1  }
0x18: {  	[dreg:$0xd] =	wrdreg s24;
	s1 =	sadd.s32 s25, s3;
	s24 =	sshll.u32 s22, $0x7  }
0x19: {  	s26 =	sadd.s32 s22, s4;
	s22 =	simm.s32 $0x40;
	s8 =	sor.u32 s8, s13  }
0x1a: {  	s16 =	sshrl.u32 s15, $0x2;
	[dreg:$0xf] =	wrdreg s1;
	s13 =	sadd.s32 $0x140, s11  }
0x1b: {  	s1 =	sadd.s32 s31, s4;
	s25 =	sadd.s32 s24, s3;
	[dreg:$0x1c] =	wrdreg s26  }
0x1c: {  	s31 =	sadd.s32 s6, s14;
	s24 =	simm.s32 $0x2200;
	s26 =	simm.s32 $0x18200  }
0x1d: {  	s8 =	sshrl.u32 s8, $0x3;
	s12 =	sadd.s32 s16, s3;
	[dreg:$0x12] =	wrdreg s1  }
0x1e: {  	s15 =	sshll.u32 s13, $0x7;
	s16 =	sadd.s32 $0x180, s11;
	[dreg:$0x1b] =	wrdreg s25  }
0x1f: {  	[dreg:$0x1d] =	wrdreg s31;
	s25 =	simm.s32 $0x3;
	s17 =	sadd.s32 s2, s8  }
0x20: {  	s2 =	sadd.s32 s20, s3;
	s8 =	sadd.s32 s23, s4;
	[dreg:$0x9] =	wrdreg s17  }
0x21: {  	s1 =	sadd.s32 s15, s3;
	s18 =	sshll.u32 s16, $0x7;
	[dreg:$0xb] =	wrdreg s2  }
0x22: {  	s23 =	sshll.u32 s21, $0x7;
	s15 =	simm.s32 $0x200;
	[dreg:$0x10] =	wrdreg s8  }
0x23: {  	s2 =	sadd.s32 s10, s3;
	[dreg:$0x13] =	wrdreg s1;
	s17 =	sadd.s32 $0x1C0, s11  }
0x24: {  	s8 =	sadd.s32 s13, s4;
	s1 =	sadd.s32 s16, s4;
	s11 =	sadd.s32 s7, s14  }
0x25: {  	s13 =	sor.u32 $0x18, s14;
	s14 =	sor.u32 $0x10, s14;
	[dreg:$0x11] =	wrdreg s2  }
0x26: {  	s16 =	simm.s32 $0x5;
	s10 =	simm.s32 $0x10;
	[dreg:$0x14] =	wrdreg s8  }
0x27: {  	s19 =	sshll.u32 s17, $0x7;
	s8 =	sadd.s32 s18, s3;
	[dreg:$0x16] =	wrdreg s1  }
0x28: {  	s2 =	sadd.s32 s17, s4;
	s1 =	sadd.s32 s21, s4;
	[dreg:$0x15] =	wrdreg s8  }
0x29: {  	s17 =	simm.s32 $0x18280;
	s18 =	simm.s32 $0x100;
	[dreg:$0x18] =	wrdreg s2  }
0x2a: {  	s21 =	simm.s32 $0x1;
	s20 =	sadd.s32 s19, s3;
	[dreg:$0x1a] =	wrdreg s1  }
0x2b: {  	s2 =	sadd.s32 s23, s3;
	s19 =	simm.s32 $0x80;
	[dreg:$0x17] =	wrdreg s20  }
0x2c: {  	v0 =	vimm.f32 $0.0e+00;
	v1 =	vimm.f32 $1.000000000e+00;
	s23 =	simm.s32 $0x2;
	[dreg:$0x19] =	wrdreg s2;
	s20 =	simm.s32 $0x180  }
.LBB2_1:
0x2d: {  	s1 =	sand.u32 $0x7E00, s5  }
0x2e: {  	s2 =	sand.u32 $0x70, s5;
	s8 =	sshrl.u32 s1, $0x2  }
0x2f: {  	s1 =	simm.s32 $0x40;
	s8 =	sor.u32 s2, s8;
	s2 =	simm.s32 $0x0  }
.LBB2_2:
0x30: {  	p0 =	sne.s32 s1, $0x7FC0  }
0x31: {  	[tilespmem:s8+$0x200] =	vst v0;
	s2 =	sadd.s32 $0x10, s2;
	s8 =	smov.u32 s1;
	s1 =	sadd.s32 $0x40, s1  }
.Ltmp0:
0x32: {  	(pc) =	sbr.rel @p0 .LBB2_2-.Ltmp0, $4  }
0x33: {  	_ = 	snop  }
0x34: {  	s8 =	sand.u32 $0x7E00, s8  }
0x35: {  	s31 =	sand.u32 $0x70, s2;
	s8 =	sshrl.u32 s8, $0x2  }
0x36: {  	s8 =	sor.u32 s31, s8  }
0x37: {  	[tilespmem:s8+$0x200] =	vst v0  }
0x38: {  	[tilespmem:$0x18280] =	vst v0  }
0x39: {  	[tilespmem:$0x18200] =	vst v1  }
0x3a: {  	[tilespmem:$0x18290] =	vst v0  }
0x3b: {  	[tilespmem:$0x18210] =	vst v1  }
0x3c: {  	[tilespmem:$0x182A0] =	vst v0  }
0x3d: {  	[tilespmem:$0x18220] =	vst v1  }
0x3e: {  	[tilespmem:$0x182B0] =	vst v0  }
0x3f: {  	[tilespmem:$0x18230] =	vst v1  }
0x40: {  	[spmem:s12] =	stream.linear.scatter [tilespmem:s15], [sflag:$0x5], $0x2000, $0x38;
	[tilespmem:$0x18580] =	vst v63  }
0x41: {  	_ =	swait.ge [sflag:s16], $0x2000  }
0x42: {  	[sflag:s16] =	ssyncset.done $0x0  }
0x43: {  	[sflag:s16] =	ssyncadd.s32 $0xFFFFE000  }
0x44: {  	[spmem:s29] =	stream.linear.scatter [tilespmem:s17], [sflag:$0x5], $0x40, $0x38;
	[tilespmem:$0x18580] =	vst v63  }
0x45: {  	_ =	swait.ge [sflag:s16], $0x40  }
0x46: {  	[sflag:s16] =	ssyncset.done $0x0  }
0x47: {  	s1 =	rddreg [dreg:$0xb];
	[sflag:s16] =	ssyncadd.s32 $0xFFFFFFC0  }
0x48: {  	[spmem:s1] =	stream.linear.scatter [tilespmem:s15], [sflag:$0x5], $0x2000, $0x38;
	[tilespmem:$0x18580] =	vst v63  }
0x49: {  	_ =	swait.ge [sflag:s16], $0x2000  }
0x4a: {  	[sflag:s16] =	ssyncset.done $0x0  }
0x4b: {  	s8 =	rddreg [dreg:$0xc];
	[sflag:s16] =	ssyncadd.s32 $0xFFFFE000  }
0x4c: {  	[spmem:s8] =	stream.linear.scatter [tilespmem:s17], [sflag:$0x5], $0x40, $0x38;
	[tilespmem:$0x18580] =	vst v63  }
0x4d: {  	_ =	swait.ge [sflag:s16], $0x40  }
0x4e: {  	[sflag:s16] =	ssyncset.done $0x0  }
0x4f: {  	s2 =	rddreg [dreg:$0xd];
	[sflag:s16] =	ssyncadd.s32 $0xFFFFFFC0  }
0x50: {  	[spmem:s2] =	stream.linear.scatter [tilespmem:s15], [sflag:$0x5], $0x2000, $0x38;
	[tilespmem:$0x18580] =	vst v63  }
0x51: {  	_ =	swait.ge [sflag:s16], $0x2000  }
0x52: {  	[sflag:s16] =	ssyncset.done $0x0  }
0x53: {  	s8 =	rddreg [dreg:$0xe];
	[sflag:s16] =	ssyncadd.s32 $0xFFFFE000  }
0x54: {  	[spmem:s8] =	stream.linear.scatter [tilespmem:s17], [sflag:$0x5], $0x40, $0x38;
	[tilespmem:$0x18580] =	vst v63  }
0x55: {  	_ =	swait.ge [sflag:s16], $0x40  }
0x56: {  	[sflag:s16] =	ssyncset.done $0x0  }
0x57: {  	s2 =	rddreg [dreg:$0xf];
	[sflag:s16] =	ssyncadd.s32 $0xFFFFFFC0  }
0x58: {  	[spmem:s2] =	stream.linear.scatter [tilespmem:s15], [sflag:$0x5], $0x2000, $0x38;
	[tilespmem:$0x18580] =	vst v63  }
0x59: {  	_ =	swait.ge [sflag:s16], $0x2000  }
0x5a: {  	[sflag:s16] =	ssyncset.done $0x0  }
0x5b: {  	s8 =	rddreg [dreg:$0x10];
	[sflag:s16] =	ssyncadd.s32 $0xFFFFE000  }
0x5c: {  	[spmem:s8] =	stream.linear.scatter [tilespmem:s17], [sflag:$0x5], $0x40, $0x38;
	[tilespmem:$0x18580] =	vst v63  }
0x5d: {  	_ =	swait.ge [sflag:s16], $0x40  }
0x5e: {  	[sflag:s16] =	ssyncset.done $0x0  }
0x5f: {  	s2 =	rddreg [dreg:$0x11];
	[sflag:s16] =	ssyncadd.s32 $0xFFFFFFC0  }
0x60: {  	[spmem:s2] =	stream.linear.scatter [tilespmem:s15], [sflag:$0x5], $0x2000, $0x38;
	[tilespmem:$0x18580] =	vst v63  }
0x61: {  	_ =	swait.ge [sflag:s16], $0x2000  }
0x62: {  	[sflag:s16] =	ssyncset.done $0x0  }
0x63: {  	s8 =	rddreg [dreg:$0x12];
	[sflag:s16] =	ssyncadd.s32 $0xFFFFE000  }
0x64: {  	[spmem:s8] =	stream.linear.scatter [tilespmem:s17], [sflag:$0x5], $0x40, $0x38;
	[tilespmem:$0x18580] =	vst v63  }
0x65: {  	_ =	swait.ge [sflag:s16], $0x40  }
0x66: {  	[sflag:s16] =	ssyncset.done $0x0  }
0x67: {  	s2 =	rddreg [dreg:$0x13];
	[sflag:s16] =	ssyncadd.s32 $0xFFFFFFC0  }
0x68: {  	[spmem:s2] =	stream.linear.scatter [tilespmem:s15], [sflag:$0x5], $0x2000, $0x38;
	[tilespmem:$0x18580] =	vst v63  }
0x69: {  	_ =	swait.ge [sflag:s16], $0x2000  }
0x6a: {  	[sflag:s16] =	ssyncset.done $0x0  }
0x6b: {  	s8 =	rddreg [dreg:$0x14];
	[sflag:s16] =	ssyncadd.s32 $0xFFFFE000  }
0x6c: {  	[spmem:s8] =	stream.linear.scatter [tilespmem:s17], [sflag:$0x5], $0x40, $0x38;
	[tilespmem:$0x18580] =	vst v63  }
0x6d: {  	_ =	swait.ge [sflag:s16], $0x40  }
0x6e: {  	[sflag:s16] =	ssyncset.done $0x0  }
0x6f: {  	s2 =	rddreg [dreg:$0x15];
	[sflag:s16] =	ssyncadd.s32 $0xFFFFFFC0  }
0x70: {  	[spmem:s2] =	stream.linear.scatter [tilespmem:s15], [sflag:$0x5], $0x2000, $0x38;
	[tilespmem:$0x18580] =	vst v63  }
0x71: {  	_ =	swait.ge [sflag:s16], $0x2000  }
0x72: {  	[sflag:s16] =	ssyncset.done $0x0  }
0x73: {  	s8 =	rddreg [dreg:$0x16];
	[sflag:s16] =	ssyncadd.s32 $0xFFFFE000  }
0x74: {  	[spmem:s8] =	stream.linear.scatter [tilespmem:s17], [sflag:$0x5], $0x40, $0x38;
	[tilespmem:$0x18580] =	vst v63  }
0x75: {  	_ =	swait.ge [sflag:s16], $0x40  }
0x76: {  	[sflag:s16] =	ssyncset.done $0x0  }
0x77: {  	s2 =	rddreg [dreg:$0x17];
	[sflag:s16] =	ssyncadd.s32 $0xFFFFFFC0  }
0x78: {  	[spmem:s2] =	stream.linear.scatter [tilespmem:s15], [sflag:$0x5], $0x2000, $0x38;
	[tilespmem:$0x18580] =	vst v63  }
0x79: {  	_ =	swait.ge [sflag:s16], $0x2000  }
0x7a: {  	[sflag:s16] =	ssyncset.done $0x0  }
0x7b: {  	s8 =	rddreg [dreg:$0x18];
	[sflag:s16] =	ssyncadd.s32 $0xFFFFE000  }
0x7c: {  	[spmem:s8] =	stream.linear.scatter [tilespmem:s17], [sflag:$0x5], $0x40, $0x38;
	[tilespmem:$0x18580] =	vst v63  }
0x7d: {  	_ =	swait.ge [sflag:s16], $0x40  }
0x7e: {  	[sflag:s16] =	ssyncset.done $0x0  }
0x7f: {  	s2 =	rddreg [dreg:$0x19];
	[sflag:s16] =	ssyncadd.s32 $0xFFFFFFC0  }
0x80: {  	[spmem:s2] =	stream.linear.scatter [tilespmem:s15], [sflag:$0x5], $0x2000, $0x38;
	[tilespmem:$0x18580] =	vst v63  }
0x81: {  	_ =	swait.ge [sflag:s16], $0x2000  }
0x82: {  	[sflag:s16] =	ssyncset.done $0x0  }
0x83: {  	s8 =	rddreg [dreg:$0x1a];
	[sflag:s16] =	ssyncadd.s32 $0xFFFFE000  }
0x84: {  	[spmem:s8] =	stream.linear.scatter [tilespmem:s17], [sflag:$0x5], $0x40, $0x38;
	[tilespmem:$0x18580] =	vst v63  }
0x85: {  	_ =	swait.ge [sflag:s16], $0x40  }
0x86: {  	[sflag:s16] =	ssyncset.done $0x0  }
0x87: {  	s2 =	rddreg [dreg:$0x1b];
	[sflag:s16] =	ssyncadd.s32 $0xFFFFFFC0  }
0x88: {  	[spmem:s2] =	stream.linear.scatter [tilespmem:s15], [sflag:$0x5], $0x2000, $0x38;
	[tilespmem:$0x18580] =	vst v63  }
0x89: {  	_ =	swait.ge [sflag:s16], $0x2000  }
0x8a: {  	[sflag:s16] =	ssyncset.done $0x0  }
0x8b: {  	s8 =	rddreg [dreg:$0x1c];
	[sflag:s16] =	ssyncadd.s32 $0xFFFFE000  }
0x8c: {  	[spmem:s8] =	stream.linear.scatter [tilespmem:s17], [sflag:$0x5], $0x40, $0x38;
	[tilespmem:$0x18580] =	vst v63  }
0x8d: {  	_ =	swait.ge [sflag:s16], $0x40  }
0x8e: {  	[sflag:s16] =	ssyncset.done $0x0  }
0x8f: {  	[sflag:s16] =	ssyncadd.s32 $0xFFFFFFC0  }
0x90: {  	[bflag:$0x0] =	sbarrier.arrive $0xFFFF  }
0x91: {  	s2 =	rddreg [dreg:$0x1d]  }
0x92: {  	[tilespmem:s5], [sflag:$0x1] =	stream.linear.gather [hbm4b:s2+s5], $0x40, $0x38;
	[tilespmem:$0x18580] =	vst v63  }
0x93: {  	_ = 	snop  }
0x94: {  	[tilespmem:s18], [sflag:$0x1] =	stream.linear.gather [hbm4b:s11+s5], $0x40, $0x38;
	[tilespmem:$0x18580] =	vst v63  }
0x95: {  	s8 =	rddreg [dreg:$0x6]  }
0x96: {  	[tilespmem:s19], [sflag:$0x2] =	stream.linear.gather [hbm4b:s8+s5], $0x40, $0x38;
	[tilespmem:$0x18580] =	vst v63  }
0x97: {  	s2 =	rddreg [dreg:$0x7]  }
0x98: {  	[tilespmem:s20], [sflag:$0x2] =	stream.linear.gather [hbm4b:s2+s5], $0x40, $0x38;
	[tilespmem:$0x18580] =	vst v63  }
0x99: {  	_ =	swait.ge [sflag:s21], $0x40  }
0x9a: {  	[sflag:s21] =	ssyncset.done $0x0  }
0x9b: {  	[sflag:s21] =	ssyncadd.s32 $0xFFFFFFC0  }
0x9c: {  	_ =	swait.ge [sflag:s21], $0x40  }
0x9d: {  	[sflag:s21] =	ssyncset.done $0x0  }
0x9e: {  	[sflag:s21] =	ssyncadd.s32 $0xFFFFFFC0  }
0x9f: {  	[tilespmem:s15], [sflag:$0x3] =	stream.indirect.gather [hbm4b:s0+s22], $0x80, s5, s22, $0xb8;
	[tilespmem:$0x18580] =	vst v63  }
0xa0: {  	_ =	swait.ge [sflag:s23], $0x40  }
0xa1: {  	[sflag:s23] =	ssyncset.done $0x0  }
0xa2: {  	[sflag:s23] =	ssyncadd.s32 $0xFFFFFFC0  }
0xa3: {  	_ =	swait.ge [sflag:s23], $0x40  }
0xa4: {  	[sflag:s23] =	ssyncset.done $0x0  }
0xa5: {  	[sflag:s23] =	ssyncadd.s32 $0xFFFFFFC0  }
0xa6: {  	[tilespmem:s24], [sflag:$0x4] =	stream.indirect.gather [hbm4b:s0+s22], $0x80, s19, s22, $0xb8;
	[tilespmem:$0x18580] =	vst v63  }
0xa7: {  	_ =	swait.ge [sflag:s25], $0x2000  }
0xa8: {  	[sflag:s25] =	ssyncset.done $0x0  }
0xa9: {  	[sflag:s25] =	ssyncadd.s32 $0xFFFFE000  }
0xaa: {  	[spmem:s3] =	stream.indirect.scatter.add.f32 [tilespmem:s15], [sflag:$0x5], $0x80, s18, s22, $0xb8;
	[tilespmem:$0x18580] =	vst v63  }
0xab: {  	_ =	swait.ge [sflag:s16], $0x2000  }
0xac: {  	[sflag:s16] =	ssyncset.done $0x0  }
0xad: {  	[sflag:s16] =	ssyncadd.s32 $0xFFFFE000  }
0xae: {  	[spmem:s4] =	stream.indirect.scatter.add.f32 [tilespmem:s26], [sflag:$0x5], $0x1, s18, s22, $0xb8;
	[tilespmem:$0x18580] =	vst v63  }
0xaf: {  	_ =	swait.ge [sflag:s16], $0x40  }
0xb0: {  	[sflag:s16] =	ssyncset.done $0x0  }
0xb1: {  	s8 =	sadd.s32 s6, s14;
	[sflag:s16] =	ssyncadd.s32 $0xFFFFFFC0  }
0xb2: {  	[tilespmem:s5], [sflag:$0x1] =	stream.linear.gather [hbm4b:s8+s5], $0x40, $0x38;
	[tilespmem:$0x18580] =	vst v63  }
0xb3: {  	s2 =	sadd.s32 s7, s14  }
0xb4: {  	[tilespmem:s18], [sflag:$0x1] =	stream.linear.gather [hbm4b:s2+s5], $0x40, $0x38;
	[tilespmem:$0x18580] =	vst v63  }
0xb5: {  	_ =	swait.ge [sflag:s21], $0x40  }
0xb6: {  	[sflag:s21] =	ssyncset.done $0x0  }
0xb7: {  	[sflag:s21] =	ssyncadd.s32 $0xFFFFFFC0  }
0xb8: {  	_ =	swait.ge [sflag:s21], $0x40  }
0xb9: {  	[sflag:s21] =	ssyncset.done $0x0  }
0xba: {  	[sflag:s21] =	ssyncadd.s32 $0xFFFFFFC0  }
0xbb: {  	[tilespmem:s15], [sflag:$0x3] =	stream.indirect.gather [hbm4b:s0+s22], $0x80, s5, s22, $0xb8;
	[tilespmem:$0x18580] =	vst v63  }
0xbc: {  	_ =	swait.ge [sflag:s28], $0x2000  }
0xbd: {  	[sflag:s28] =	ssyncset.done $0x0  }
0xbe: {  	[sflag:s28] =	ssyncadd.s32 $0xFFFFE000  }
0xbf: {  	[spmem:s3] =	stream.indirect.scatter.add.f32 [tilespmem:s24], [sflag:$0x5], $0x80, s20, s22, $0xb8;
	[tilespmem:$0x18580] =	vst v63  }
0xc0: {  	_ =	swait.ge [sflag:s16], $0x2000  }
0xc1: {  	[sflag:s16] =	ssyncset.done $0x0  }
0xc2: {  	p0 =	sne.s32 s9, $0x1;
	[sflag:s16] =	ssyncadd.s32 $0xFFFFE000  }
0xc3: {  	[spmem:s4] =	stream.indirect.scatter.add.f32 [tilespmem:s26], [sflag:$0x5], $0x1, s20, s22, $0xb8;
	[tilespmem:$0x18580] =	vst v63  }
.Ltmp1:
0xc4: {  	_ =	swait.ge [sflag:s16], $0x40;
	(pc) =	sbr.rel @!p0 .LBB2_5-.Ltmp1, $4  }
0xc5: {  	[sflag:s16] =	ssyncset.done $0x0  }
0xc6: {  	s31 =	sadd.s32 $0xFFFFFFFF, s9;
	s8 =	sadd.s32 s6, s13;
	[sflag:s16] =	ssyncadd.s32 $0xFFFFFFC0  }
0xc7: {  	[tilespmem:s19], [sflag:$0x2] =	stream.linear.gather [hbm4b:s8+s5], $0x40, $0x38;
	[tilespmem:$0x18580] =	vst v63  }
0xc8: {  	s1 =	sadd.s32 $0x10, s7;
	s2 =	sadd.s32 $0x10, s6;
	s8 =	sadd.s32 s7, s13  }
.LBB2_4:
0xc9: {  	[tilespmem:s20], [sflag:$0x2] =	stream.linear.gather [hbm4b:s8+s5], $0x40, $0x38;
	[tilespmem:$0x18580] =	vst v63  }
0xca: {  	p0 =	sne.s32 s31, $0x1;
	s31 =	sadd.s32 $0xFFFFFFFF, s31;
	_ =	swait.ge [sflag:s23], $0x40  }
0xcb: {  	[sflag:s23] =	ssyncset.done $0x0  }
0xcc: {  	[sflag:s23] =	ssyncadd.s32 $0xFFFFFFC0  }
0xcd: {  	_ =	swait.ge [sflag:s23], $0x40  }
0xce: {  	[sflag:s23] =	ssyncset.done $0x0  }
0xcf: {  	[sflag:s23] =	ssyncadd.s32 $0xFFFFFFC0  }
0xd0: {  	[tilespmem:s24], [sflag:$0x4] =	stream.indirect.gather [hbm4b:s0+s22], $0x80, s19, s22, $0xb8;
	[tilespmem:$0x18580] =	vst v63  }
0xd1: {  	_ =	swait.ge [sflag:s25], $0x2000  }
0xd2: {  	[sflag:s25] =	ssyncset.done $0x0  }
0xd3: {  	[sflag:s25] =	ssyncadd.s32 $0xFFFFE000  }
0xd4: {  	[spmem:s3] =	stream.indirect.scatter.add.f32 [tilespmem:s15], [sflag:$0x5], $0x80, s18, s22, $0xb8;
	[tilespmem:$0x18580] =	vst v63  }
0xd5: {  	_ =	swait.ge [sflag:s16], $0x2000  }
0xd6: {  	[sflag:s16] =	ssyncset.done $0x0  }
0xd7: {  	[sflag:s16] =	ssyncadd.s32 $0xFFFFE000  }
0xd8: {  	[spmem:s4] =	stream.indirect.scatter.add.f32 [tilespmem:s26], [sflag:$0x5], $0x1, s18, s22, $0xb8;
	[tilespmem:$0x18580] =	vst v63  }
0xd9: {  	_ =	swait.ge [sflag:s16], $0x40  }
0xda: {  	[sflag:s16] =	ssyncset.done $0x0  }
0xdb: {  	s8 =	sadd.s32 s2, s14;
	[sflag:s16] =	ssyncadd.s32 $0xFFFFFFC0  }
0xdc: {  	[tilespmem:s5], [sflag:$0x1] =	stream.linear.gather [hbm4b:s8+s5], $0x40, $0x38;
	[tilespmem:$0x18580] =	vst v63  }
0xdd: {  	s8 =	sadd.s32 s1, s14  }
0xde: {  	[tilespmem:s18], [sflag:$0x1] =	stream.linear.gather [hbm4b:s8+s5], $0x40, $0x38;
	[tilespmem:$0x18580] =	vst v63  }
0xdf: {  	_ =	swait.ge [sflag:s21], $0x40  }
0xe0: {  	[sflag:s21] =	ssyncset.done $0x0  }
0xe1: {  	[sflag:s21] =	ssyncadd.s32 $0xFFFFFFC0  }
0xe2: {  	_ =	swait.ge [sflag:s21], $0x40  }
0xe3: {  	[sflag:s21] =	ssyncset.done $0x0  }
0xe4: {  	[sflag:s21] =	ssyncadd.s32 $0xFFFFFFC0  }
0xe5: {  	[tilespmem:s15], [sflag:$0x3] =	stream.indirect.gather [hbm4b:s0+s22], $0x80, s5, s22, $0xb8;
	[tilespmem:$0x18580] =	vst v63  }
0xe6: {  	_ =	swait.ge [sflag:s28], $0x2000  }
0xe7: {  	[sflag:s28] =	ssyncset.done $0x0  }
0xe8: {  	[sflag:s28] =	ssyncadd.s32 $0xFFFFE000  }
0xe9: {  	[spmem:s3] =	stream.indirect.scatter.add.f32 [tilespmem:s24], [sflag:$0x5], $0x80, s20, s22, $0xb8;
	[tilespmem:$0x18580] =	vst v63  }
0xea: {  	_ =	swait.ge [sflag:s16], $0x2000  }
0xeb: {  	[sflag:s16] =	ssyncset.done $0x0  }
0xec: {  	[sflag:s16] =	ssyncadd.s32 $0xFFFFE000  }
0xed: {  	[spmem:s4] =	stream.indirect.scatter.add.f32 [tilespmem:s26], [sflag:$0x5], $0x1, s20, s22, $0xb8;
	[tilespmem:$0x18580] =	vst v63  }
.Ltmp2:
0xee: {  	_ =	swait.ge [sflag:s16], $0x40;
	(pc) =	sbr.rel @p0 .LBB2_4-.Ltmp2, $4  }
0xef: {  	[sflag:s16] =	ssyncset.done $0x0  }
0xf0: {  	s8 =	sadd.s32 s2, s13;
	[sflag:s16] =	ssyncadd.s32 $0xFFFFFFC0  }
0xf1: {  	[tilespmem:s19], [sflag:$0x2] =	stream.linear.gather [hbm4b:s8+s5], $0x40, $0x38;
	[tilespmem:$0x18580] =	vst v63  }
0xf2: {  	s2 =	sadd.s32 $0x10, s2;
	s8 =	sadd.s32 s1, s13;
	s1 =	sadd.s32 $0x10, s1  }
.LBB2_5:
0xf3: {  	[tilespmem:s20], [sflag:$0x2] =	stream.linear.gather [hbm4b:s8+s5], $0x40, $0x38;
	[tilespmem:$0x18580] =	vst v63  }
0xf4: {  	_ =	swait.ge [sflag:s23], $0x40  }
0xf5: {  	[sflag:s23] =	ssyncset.done $0x0  }
0xf6: {  	[sflag:s23] =	ssyncadd.s32 $0xFFFFFFC0  }
0xf7: {  	_ =	swait.ge [sflag:s23], $0x40  }
0xf8: {  	[sflag:s23] =	ssyncset.done $0x0  }
0xf9: {  	[sflag:s23] =	ssyncadd.s32 $0xFFFFFFC0  }
0xfa: {  	[tilespmem:s24], [sflag:$0x4] =	stream.indirect.gather [hbm4b:s0+s22], $0x80, s19, s22, $0xb8;
	[tilespmem:$0x18580] =	vst v63  }
0xfb: {  	_ =	swait.ge [sflag:s25], $0x2000  }
0xfc: {  	[sflag:s25] =	ssyncset.done $0x0  }
0xfd: {  	[sflag:s25] =	ssyncadd.s32 $0xFFFFE000  }
0xfe: {  	[spmem:s3] =	stream.indirect.scatter.add.f32 [tilespmem:s15], [sflag:$0x5], $0x80, s18, s22, $0xb8;
	[tilespmem:$0x18580] =	vst v63  }
0xff: {  	_ =	swait.ge [sflag:s16], $0x2000  }
0x100: {  	[sflag:s16] =	ssyncset.done $0x0  }
0x101: {  	[sflag:s16] =	ssyncadd.s32 $0xFFFFE000  }
0x102: {  	[spmem:s4] =	stream.indirect.scatter.add.f32 [tilespmem:s26], [sflag:$0x5], $0x1, s18, s22, $0xb8;
	[tilespmem:$0x18580] =	vst v63  }
0x103: {  	_ =	swait.ge [sflag:s16], $0x40  }
0x104: {  	[sflag:s16] =	ssyncset.done $0x0  }
0x105: {  	[sflag:s16] =	ssyncadd.s32 $0xFFFFFFC0  }
0x106: {  	_ =	swait.ge [sflag:s28], $0x2000  }
0x107: {  	[sflag:s28] =	ssyncset.done $0x0  }
0x108: {  	[sflag:s28] =	ssyncadd.s32 $0xFFFFE000  }
0x109: {  	[spmem:s3] =	stream.indirect.scatter.add.f32 [tilespmem:s24], [sflag:$0x5], $0x80, s20, s22, $0xb8;
	[tilespmem:$0x18580] =	vst v63  }
0x10a: {  	_ =	swait.ge [sflag:s16], $0x2000  }
0x10b: {  	[sflag:s16] =	ssyncset.done $0x0  }
0x10c: {  	[sflag:s16] =	ssyncadd.s32 $0xFFFFE000  }
0x10d: {  	[spmem:s4] =	stream.indirect.scatter.add.f32 [tilespmem:s26], [sflag:$0x5], $0x1, s20, s22, $0xb8;
	[tilespmem:$0x18580] =	vst v63  }
0x10e: {  	_ =	swait.ge [sflag:s16], $0x40  }
0x10f: {  	[sflag:s16] =	ssyncset.done $0x0  }
0x110: {  	s1 =	stileid.u32;
	[sflag:s16] =	ssyncadd.s32 $0xFFFFFFC0  }
0x111: {  	s1 =	sshll.u32 s1, $0x6;
	[bflag:$0x0] =	sbarrier.arrive $0xFFFF  }
0x112: {  	s2 =	sshrl.u32 s12, $0x3;
	s1 =	sor.u32 $0x1C05, s1;
	s31 =	rddreg [dreg:$0x8]  }
0x113: {  	[hbm:s31], [sflag:s1] =	dma.local [spmem:s2], $0x2800  }
0x114: {  	_ =	swait.ge [sflag:s16], $0x2800  }
0x115: {  	s2 =	sshrl.u32 s29, $0x3;
	[sflag:s16] =	ssyncset.done $0x0  }
0x116: {  	s31 =	simm.s32 $0x20;
	s8 =	rddreg [dreg:$0x9];
	[sflag:s16] =	ssyncadd.s32 $0xFFFFD800  }
0x117: {  	[hbm:s8@s31], [sflag:s1] =	dma.strided [spmem:s2@s10], $0x50, s21, $0x10   }
0x118: {  	_ =	swait.ge [sflag:s16], $0x50  }
0x119: {  	s30 =	sadd.s32 $0x1, s30;
	s31 =	rddreg [dreg:$0xa]  }
0x11a: {  	p0 =	sne.s32 s30, s31  }
.Ltmp3:
0x11b: {  	_ = 	snop;
	(pc) =	sbr.rel @p0 .LBB2_1-.Ltmp3, $3  }
0x11c: {  	_ =	sdelay $0x1  }
0x11d: {  	[sflag:s16] =	ssyncset.done $0x0  }
0x11e: {  	[sflag:s16] =	ssyncadd.s32 $0xFFFFFFB0  }
0x11f: {  	_ =	sfence.sel $0x180000  }
0x120: {  	[bflag:$0x0] =	sbarrier.arrive $0xFFFF  }
0x121: {  	_ =	strace $0x90000047  }
0x122: {  	s0 =	stileid.u32;
	[bflag:$0x2] =	sbarrier.arrive $0xFFFF  }
0x123: {  	p0 =	sne.s32 s0, $0x0;
	s0 =	rddreg [dreg:$0x5]  }
0x124: {  	s0 =	sadd.s32 @!p0 $0x100000, s0  }
0x125: {  	[sflag:s0] =	ssyncadd.tile.s32 @!p0 $0x1;
	_ =	shalt  }
.Lfunc_end2:
_tile_overlayer_lowered:
.L_overlay_start_2:
0x126: {  	(tag) =	ssettag $0x2  }
0x127: {  	s0 =	rddreg [dreg:$0x0];
	s2 =	stileid.u32  }
0x128: {  	s1 =	rddreg [dreg:$0x1];
	p0 =	sne.s32 s2, $0x0  }
0x129: {  	s3 =	rddreg [dreg:$0x2];
	[bflag:$0x3] =	sbarrier.arrive $0xFFFF;
	s2 =	simm.s32 @!p0 $0x1C05  }
0x12a: {  	[timem:s3], [sflag:s2] =	dma.local @!p0 [hbm:s0], s1  }
0x12b: {  	s0 =	simm.s32 @!p0 $0x5  }
0x12c: {  	_ =	swait.ge @!p0 [sflag:s0], s1  }
0x12d: {  	s1 =	ssub.s32 @!p0 $0x0, s1;
	[sflag:s0] =	ssyncset.done @!p0 $0x0  }
0x12e: {  	[sflag:s0] =	ssyncadd.s32 @!p0 s1  }
0x12f: {  	[bflag:$0x3] =	sbarrier.arrive $0xFFFF  }
0x130: {  	_ =	shalt  }

// kernel: kernel.9.cloned.1.call-start
scs
__scs_entry_jumppad:
0x0: {  	(pc) =	sbr.rel $0x88, $3  }
0x1: {  	(tag) =	ssettag $0x0;
	lr =	simm.s32 $0x1  }
0x2: {  	[smem:$0x3F99] =	sst lr;
	_ =	strace $0xD0000000  }
0x3: {  	_ = 	snop  }
0x4: {  	_ = 	snop  }
0x5: {  	_ = 	snop  }
0x6: {  	_ = 	snop  }
0x7: {  	_ = 	snop  }
__scs_overlays_trampoline_lowered:
0x8: {  	[smem:$0x3FA8] =	sst s0  }
0x9: {  	[smem:$0x3FA9] =	sst s1  }
0xa: {  	[smem:$0x3FAA] =	sst s2  }
0xb: {  	[smem:$0x3FAB] =	sst s3  }
0xc: {  	[smem:$0x3FAC] =	sst s4  }
0xd: {  	[smem:$0x3FAD] =	sst s5  }
0xe: {  	[smem:$0x3FAE] =	sst s6  }
0xf: {  	[smem:$0x3FAF] =	sst s7  }
0x10: {  	[smem:$0x3FB0] =	sst s8  }
0x11: {  	[smem:$0x3FB1] =	sst s9;
	s0 =	simm.s32 @!p0 $0x0  }
0x12: {  	s1 =	sld [smem:$0x3F97];
	s0 =	simm.s32 @p0 $0x1  }
0x13: {  	[smem:$0x3FB2] =	sst s0;
	s0 =	simm.s32 @!p1 $0x0  }
0x14: {  	s2 =	sld [smem:$0x3F96];
	s0 =	simm.s32 @p1 $0x1  }
0x15: {  	[smem:$0x3FB3] =	sst s0;
	s0 =	simm.s32 @!p2 $0x0  }
0x16: {  	s3 =	sld [smem:$0x3FDB];
	s0 =	simm.s32 @p2 $0x1  }
0x17: {  	s4 =	simm.s32 $0x1BF5;
	[smem:$0x3FB5] =	sst s0  }
0x18: {  	s0 =	sld [smem:$0x3F98];
	_ =	swait.ge [sflag:s4], $0x0  }
0x19: {  	s7 =	sld [smem:$0x3F99]  }
0x1a: {  	s8 =	sadd.s32 $0xFFFFE003, lr  }
0x1b: {  	s9 =	sadd.s32 $0xFFFFFEF7, lr;
	s5 =	simm.s32 $0xFFFFFFFF;
	p2 =	slt.u32 s8, $0xFFFFF086  }
0x1c: {  	p1 =	slt.u32 s9, $0xF7A;
	s5 =	simm.s32 @!p2 $0x0  }
0x1d: {  	s5 =	simm.s32 @p1 $0x1;
	p0 =	seq.s32 s7, s2  }
0x1e: {  	s7 =	smul.u32 @!p0 $0xF7A, s2;
	p2 =	seq.s32 @!p0 s5, $0x0  }
0x1f: {  	s9 =	smul.u32 $0xF7A, s1;
	s8 =	simm.s32 @!p0 $0x1BF5;
	p2 =	por !p2, p0  }
0x20: {  	[sflag:s8] =	ssyncset.s32 @!p0 $0xFFFFF086;
	s6 =	sadd.s32 @!p0 s3, s7;
	s7 =	simm.s32 @!p0 $0x108  }
0x21: {  	s3 =	sadd.s32 s3, s9;
	s6 =	sadd.s32 @!p0 $0x88, s6;
	s7 =	simm.s32 @p2 $0x1082  }
0x22: {  	[simem:s7], [sflag:s8] =	dma.local @!p0 [hbm:s6], $0xF7A  }
0x23: {  	s9 =	sor.u32 $0xD0000000, s2;
	s6 =	simm.s32 $0x108;
	_ =	swait.ge @!p0 [sflag:s8], $0x0  }
0x24: {  	s3 =	sadd.s32 $0x88, s3;
	s6 =	simm.s32 @!p1 $0x1082;
	[sflag:s4] =	ssyncset.s32 $0xFFFFF086  }
0x25: {  	[simem:s6], [sflag:s4] =	dma.local [hbm:s3], $0xF7A  }
0x26: {  	[smem:$0x3F99] =	sst s1;
	(tag) =	ssettag s2;
	_ =	strace s9  }
0x27: {  	s1 =	sld [smem:$0x3FA9]  }
0x28: {  	s2 =	sld [smem:$0x3FAA]  }
0x29: {  	s4 =	sld [smem:$0x3FAC]  }
0x2a: {  	p0 =	seq.s32 s5, $0x0;
	s5 =	sld [smem:$0x3FAD]  }
0x2b: {  	s6 =	sld [smem:$0x3FAE]  }
0x2c: {  	s7 =	sld [smem:$0x3FAF]  }
0x2d: {  	s3 =	simm.s32 $0x108;
	s8 =	sld [smem:$0x3FB0]  }
0x2e: {  	s3 =	simm.s32 @!p0 $0x1082;
	s9 =	sld [smem:$0x3FB1]  }
0x2f: {  	lr =	sadd.s32 s0, s3;
	s0 =	sld [smem:$0x3FA8]  }
0x30: {  	s3 =	sld [smem:$0x3FAB]  }
0x31: {  	[smem:$0x3FB4] =	sst s10  }
0x32: {  	s10 =	sld [smem:$0x3FB2];
	_ =	sdelay $0x3  }
0x33: {  	p0 =	seq.s32 s10, $0x1;
	s10 =	sld [smem:$0x3FB4];
	_ =	sdelay $0x3  }
0x34: {  	[smem:$0x3FB4] =	sst s10  }
0x35: {  	s10 =	sld [smem:$0x3FB3];
	_ =	sdelay $0x3  }
0x36: {  	p1 =	seq.s32 s10, $0x1;
	s10 =	sld [smem:$0x3FB4];
	_ =	sdelay $0x3  }
0x37: {  	[smem:$0x3FB4] =	sst s10  }
0x38: {  	s10 =	sld [smem:$0x3FB5]  }
0x39: {  	_ = 	snop;
	(pc) =	sbr.ind lr, $3  }
0x3a: {  	_ = 	snop  }
0x3b: {  	_ = 	snop  }
0x3c: {  	p2 =	seq.s32 s10, $0x1;
	s10 =	sld [smem:$0x3FB4]  }
0x3d: {  	_ =	shalt  }
0x3e: {  	_ =	shalt  }
0x3f: {  	_ =	shalt  }
0x40: {  	_ =	shalt  }
0x41: {  	_ =	shalt  }
0x42: {  	_ =	shalt  }
0x43: {  	_ =	shalt  }
0x44: {  	_ =	shalt  }
0x45: {  	_ =	shalt  }
0x46: {  	_ =	shalt  }
0x47: {  	_ =	shalt  }
0x48: {  	_ =	shalt  }
0x49: {  	_ =	shalt  }
0x4a: {  	_ =	shalt  }
0x4b: {  	_ =	shalt  }
0x4c: {  	_ =	shalt  }
0x4d: {  	_ =	shalt  }
0x4e: {  	_ =	shalt  }
0x4f: {  	_ =	shalt  }
0x50: {  	_ =	shalt  }
0x51: {  	_ =	shalt  }
0x52: {  	_ =	shalt  }
0x53: {  	_ =	shalt  }
0x54: {  	_ =	shalt  }
0x55: {  	_ =	shalt  }
0x56: {  	_ =	shalt  }
0x57: {  	_ =	shalt  }
0x58: {  	_ =	shalt  }
0x59: {  	_ =	shalt  }
0x5a: {  	_ =	shalt  }
0x5b: {  	_ =	shalt  }
0x5c: {  	_ =	shalt  }
0x5d: {  	_ =	shalt  }
0x5e: {  	_ =	shalt  }
0x5f: {  	_ =	shalt  }
0x60: {  	_ =	shalt  }
0x61: {  	_ =	shalt  }
0x62: {  	_ =	shalt  }
0x63: {  	_ =	shalt  }
0x64: {  	_ =	shalt  }
0x65: {  	_ =	shalt  }
0x66: {  	_ =	shalt  }
0x67: {  	_ =	shalt  }
0x68: {  	_ =	shalt  }
0x69: {  	_ =	shalt  }
0x6a: {  	_ =	shalt  }
0x6b: {  	_ =	shalt  }
0x6c: {  	_ =	shalt  }
0x6d: {  	_ =	shalt  }
0x6e: {  	_ =	shalt  }
0x6f: {  	_ =	shalt  }
0x70: {  	_ =	shalt  }
0x71: {  	_ =	shalt  }
0x72: {  	_ =	shalt  }
0x73: {  	_ =	shalt  }
0x74: {  	_ =	shalt  }
0x75: {  	_ =	shalt  }
0x76: {  	_ =	shalt  }
0x77: {  	_ =	shalt  }
0x78: {  	_ =	shalt  }
0x79: {  	_ =	shalt  }
0x7a: {  	_ =	shalt  }
0x7b: {  	_ =	shalt  }
0x7c: {  	_ =	shalt  }
0x7d: {  	_ =	shalt  }
0x7e: {  	_ =	shalt  }
0x7f: {  	_ =	shalt  }
0x80: {  	_ =	shalt  }
0x81: {  	_ =	shalt  }
0x82: {  	_ =	shalt  }
0x83: {  	_ =	shalt  }
0x84: {  	_ =	shalt  }
0x85: {  	_ =	shalt  }
0x86: {  	_ =	shalt  }
0x87: {  	_ =	shalt  }
.Lfunc_end0:
.L_simem_size_0:
called_computation.1_lowered:
.L_overlay_start_0:
0x88: {  	s2 =	sld [smem:$0x3FD9]  }
0x89: {  	s3 =	sld [smem:$0x3FFE];
	_ =	sdelay $0x1  }
0x8a: {  	s1 =	srdreg.scid  }
0x8b: {  	s0 =	sand.u32 $0x1, s1  }
0x8c: {  	s17 =	sshll.u32 s0, $0xA;
	s2 =	sadd.s32 s3, s2  }
0x8d: {  	s2 =	sadd.s32 s2, s17  }
0x8e: {  	[smem:$0x3FC0] =	sst s2  }
0x8f: {  	_ = 	snop  }
0x90: {  	s2 =	sld [smem:$0x3FD0];
	(tm) =	ssettm $0x1  }
0x91: {  	s18 =	sld [smem:$0x3FFB];
	_ =	sdelay $0x3  }
0x92: {  	_ =	strace s18  }
0x93: {  	s3 =	sld [smem:$0x3FFC];
	_ =	sdelay $0x3  }
0x94: {  	_ =	strace s3  }
0x95: {  	s3 =	sld [smem:$0x3FFD];
	_ =	sdelay $0x3  }
0x96: {  	_ =	strace s3  }
0x97: {  	_ =	strace $0x8FFFFFFF  }
0x98: {  	s19 =	sld [smem:$0x3FDB];
	_ =	sdelay $0x1  }
0x99: {  	s4 =	simm.s32 $_scs_section_size  }
0x9a: {  	s5 =	simm.s32 $_size__tile_overlayer_lowered;
	s6 =	simm.s32 $_tile_overlayer_lowered  }
0x9b: {  	s22 =	simm.s32 $0x1BFF;
	s21 =	sshll.u32 s6, $0x1;
	s3 =	sadd.s32 s4, s19  }
0x9c: {  	s7 =	simm.s32 $0x0;
	s20 =	sshll.u32 s5, $0x1;
	s5 =	sadd.s32 s21, s3  }
0x9d: {  	[timem:s7], [sflag:s22] =	dma.local [hbm:s5], s20  }
0x9e: {  	_ =	swait.ge [sflag:s22], s20  }
0x9f: {  	s4 =	ssub.s32 $0x0, s20;
	[sflag:s22] =	ssyncset.done $0x0  }
0xa0: {  	[sflag:s22] =	ssyncadd.s32 s4;
	_ =	sdelay $0x1  }
0xa1: {  	s23 =	simm.s32 $0x1B8B  }
0xa2: {  	_ =	swait.ge [sflag:s23], $0x1  }
0xa3: {  	[sflag:s23] =	ssyncset.done $0x0  }
0xa4: {  	s25 =	simm.s32 $0x1B8E;
	s24 =	sld [smem:$0x3FFE];
	[sflag:s23] =	ssyncadd.s32 $0xFFFFFFFF  }
0xa5: {  	s26 =	simm.s32 $execute0_lowered;
	[smem:$0x3FD2] =	sst s25  }
0xa6: {  	s5 =	sshll.u32 s26, $0x1;
	_ =	strace $0x80000049;
	[dreg:$0x1] =	wrdreg $0xFFFFFFFF  }
0xa7: {  	s28 =	simm.s32 $_size_execute0_lowered;
	s3 =	sadd.s32 s3, s5;
	[dreg:$0x0] =	wrdreg $0x0  }
0xa8: {  	s5 =	sshll.u32 s28, $0x1;
	[dreg:$0x2] =	wrdreg s3  }
0xa9: {  	[dreg:$0x3] =	wrdreg s5  }
0xaa: {  	[dreg:$0x4] =	wrdreg $0xC0  }
0xab: {  	_ =	task [dreg:s7], $0x5FFFF  }
0xac: {  	[dreg:$0x1] =	wrdreg $0xFFFFFFFF  }
0xad: {  	[dreg:$0x0] =	wrdreg $0x60  }
0xae: {  	[dreg:$0x2] =	wrdreg s2  }
0xaf: {  	[dreg:$0x3] =	wrdreg s24  }
0xb0: {  	[dreg:$0x4] =	wrdreg $0x42000  }
0xb1: {  	[dreg:$0x5] =	wrdreg $0x9  }
0xb2: {  	_ =	task.clear_ibuf [dreg:s7], $0x6FFFF;
	_ =	strace $0x90000049  }
0xb3: {  	s29 =	simm.s32 $0x9;
	_ =	strace $0x8000004B  }
0xb4: {  	_ =	swait.ge [sflag:s29], $0x1  }
0xb5: {  	[sflag:s29] =	ssyncadd.s32 $0xFFFFFFFF  }
0xb6: {  	_ =	strace $0x9000004B  }
0xb7: {  	_ =	sfence  }
0xb8: {  	s30 =	sld [smem:$0x0];
	_ =	sdelay $0x2  }
0xb9: {  	s31 =	sshll.u32 s1, $0xD;
	s1 =	sshrl.u32 s1, $0x2  }
0xba: {  	s3 =	sand.u32 $0x4000, s31;
	s1 =	sadd.s32 s1, s30  }
0xbb: {  	s0 =	sor.u32 s3, s0;
	s1 =	sshll.u32 s1, $0x11  }
0xbc: {  	s0 =	sor.u32 s1, s0  }
0xbd: {  	s0 =	sadd.s32 $0x8F2B, s0  }
0xbe: {  	[sflag:s0] =	ssyncadd.remote.s32 $0x1  }
0xbf: {  	_ =	sfence.sel $0xFFFF  }
0xc0: {  	[dreg:$0x0] =	wrdreg $0xFFFFFFFF;
	(pc) =	sbr.abs _section_cstart, $3  }
0xc1: {  	[dreg:$0x1] =	wrdreg $0xFFFFFFFF  }
0xc2: {  	_ =	task.clear_ibuf [dreg:s7], $0x2FFFF;
	_ =	strace $0x9FFFFFFF  }
0xc3: {  	(tm) =	ssettm $0x7FFFFFFF  }
tec
execute0_lowered:
.L_overlay_start_1:
0x0: {  	(tag) =	ssettag $0x1  }
0x1: {  	s1 =	rddreg [dreg:$0x0]  }
0x2: {  	s0 =	rddreg [dreg:$0x1]  }
0x3: {  	s2 =	rddreg [dreg:$0x2]  }
0x4: {  	s3 =	srdreg.scid;
	s4 =	simm.s32 $0x0;
	s11 =	stileid.u32  }
0x5: {  	s28 =	simm.s32 $0x5;
	s29 =	simm.s32 $0x100;
	s30 =	simm.s32 $0x80  }
0x6: {  	s31 =	simm.s32 $0x180;
	s12 =	simm.s32 $0x4;
	s8 =	smul.u32 $0x14000, s11  }
0x7: {  	s13 =	simm.s32 $0x0;
	s3 =	sand.u32 $0x1, s3;
	s15 =	smul.u32 $0x1D00, s11  }
0x8: {  	[smem:$0x7FF] =	sst s4;
	s5 =	sadd.s32 $0xBE00, s0;
	s10 =	smul.u32 $0x3200, s11  }
0x9: {  	s6 =	sadd.s32 $0x2000, s0;
	s16 =	smul.u32 $0x50000, s11;
	s11 =	simm.s32 $0x63  }
0xa: {  	s7 =	smul.u32 $0x140000, s3;
	_ =	strace $0x8000004A;
	s9 =	ssub.s32 $0x2, s3  }
0xb: {  	p0 =	seq.s32 s3, $0x0;
	s3 =	sadd.s32 $0x32000, s15;
	s17 =	sshrl.u32 s9, $0x1  }
0xc: {  	s18 =	sshrl.u32 s16, $0x2;
	s11 =	simm.s32 @!p0 $0x39;
	s7 =	sadd.s32 s8, s7  }
0xd: {  	s3 =	smov.u32 @p0 s10;
	s9 =	ssub.s32 s9, s17;
	s10 =	simm.s32 $0x3  }
0xe: {  	s7 =	sshrl.u32 s7, $0x3;
	s3 =	sshrl.u32 s3, $0x3;
	s23 =	smax.u32 s9, $0x1  }
0xf: {  	s9 =	simm.s32 $0x2200;
	s19 =	sadd.s32 s5, s3;
	[dreg:$0x9] =	wrdreg s23  }
0x10: {  	s20 =	sor.u32 $0x8, s3;
	s21 =	sadd.s32 s6, s3;
	[dreg:$0x4] =	wrdreg s19  }
0x11: {  	s0 =	sadd.s32 s7, s0;
	[dreg:$0x5] =	wrdreg s21;
	s22 =	sadd.s32 s5, s20  }
0x12: {  	s7 =	sadd.s32 s18, s2;
	s8 =	sadd.s32 s6, s20;
	[dreg:$0x6] =	wrdreg s22  }
0x13: {  	s0 =	sadd.s32 $0x15C00, s0;
	s24 =	sadd.s32 $0x2000, s7;
	[dreg:$0x7] =	wrdreg s8  }
0x14: {  	s25 =	sadd.s32 $0x4000, s7;
	s26 =	sadd.s32 $0x6000, s7;
	[dreg:$0x8] =	wrdreg s0  }
0x15: {  	s18 =	sadd.s32 $0x8000, s7;
	s19 =	sadd.s32 $0xA000, s7;
	[dreg:$0xa] =	wrdreg s24  }
0x16: {  	s20 =	sadd.s32 $0xC000, s7;
	s21 =	sadd.s32 $0xE000, s7;
	[dreg:$0xb] =	wrdreg s25  }
0x17: {  	s23 =	sadd.s32 $0x12000, s7;
	[dreg:$0xc] =	wrdreg s26;
	s22 =	sadd.s32 $0x10000, s7  }
0x18: {  	s24 =	sor.u32 $0x18, s3;
	s25 =	sor.u32 $0x10, s3;
	s26 =	simm.s32 $0x200  }
0x19: {  	v0 =	vimm.f32 $0.0e+00;
	s0 =	simm.s32 $0x1;
	s3 =	simm.s32 $0x40;
	s8 =	simm.s32 $0x2  }
.LBB2_1:
0x1a: {  	s14 =	sand.u32 $0x7E00, s4  }
0x1b: {  	s15 =	sand.u32 $0x70, s4;
	s16 =	sshrl.u32 s14, $0x2  }
0x1c: {  	s14 =	simm.s32 $0x40;
	s16 =	sor.u32 s15, s16;
	s15 =	simm.s32 $0x0  }
.LBB2_2:
0x1d: {  	p0 =	sne.s32 s14, $0x7FC0  }
0x1e: {  	[tilespmem:s16+$0x200] =	vst v0;
	s15 =	sadd.s32 $0x10, s15;
	s16 =	smov.u32 s14;
	s14 =	sadd.s32 $0x40, s14  }
.Ltmp0:
0x1f: {  	(pc) =	sbr.rel @p0 .LBB2_2-.Ltmp0, $4  }
0x20: {  	_ = 	snop  }
0x21: {  	s16 =	sand.u32 $0x7E00, s16  }
0x22: {  	s17 =	sand.u32 $0x70, s15;
	s16 =	sshrl.u32 s16, $0x2  }
0x23: {  	s16 =	sor.u32 s17, s16  }
0x24: {  	[tilespmem:s16+$0x200] =	vst v0  }
0x25: {  	[spmem:s7] =	stream.linear.scatter [tilespmem:s26], [sflag:$0x5], $0x2000, $0x38;
	[tilespmem:$0x18200] =	vst v63  }
0x26: {  	_ =	swait.ge [sflag:s28], $0x2000  }
0x27: {  	[sflag:s28] =	ssyncset.done $0x0  }
0x28: {  	s14 =	rddreg [dreg:$0xa];
	[sflag:s28] =	ssyncadd.s32 $0xFFFFE000  }
0x29: {  	[spmem:s14] =	stream.linear.scatter [tilespmem:s26], [sflag:$0x5], $0x2000, $0x38;
	[tilespmem:$0x18200] =	vst v63  }
0x2a: {  	_ =	swait.ge [sflag:s28], $0x2000  }
0x2b: {  	[sflag:s28] =	ssyncset.done $0x0  }
0x2c: {  	s15 =	rddreg [dreg:$0xb];
	[sflag:s28] =	ssyncadd.s32 $0xFFFFE000  }
0x2d: {  	[spmem:s15] =	stream.linear.scatter [tilespmem:s26], [sflag:$0x5], $0x2000, $0x38;
	[tilespmem:$0x18200] =	vst v63  }
0x2e: {  	_ =	swait.ge [sflag:s28], $0x2000  }
0x2f: {  	[sflag:s28] =	ssyncset.done $0x0  }
0x30: {  	s16 =	rddreg [dreg:$0xc];
	[sflag:s28] =	ssyncadd.s32 $0xFFFFE000  }
0x31: {  	[spmem:s16] =	stream.linear.scatter [tilespmem:s26], [sflag:$0x5], $0x2000, $0x38;
	[tilespmem:$0x18200] =	vst v63  }
0x32: {  	_ =	swait.ge [sflag:s28], $0x2000  }
0x33: {  	[sflag:s28] =	ssyncset.done $0x0  }
0x34: {  	[sflag:s28] =	ssyncadd.s32 $0xFFFFE000  }
0x35: {  	[spmem:s18] =	stream.linear.scatter [tilespmem:s26], [sflag:$0x5], $0x2000, $0x38;
	[tilespmem:$0x18200] =	vst v63  }
0x36: {  	_ =	swait.ge [sflag:s28], $0x2000  }
0x37: {  	[sflag:s28] =	ssyncset.done $0x0  }
0x38: {  	[sflag:s28] =	ssyncadd.s32 $0xFFFFE000  }
0x39: {  	[spmem:s19] =	stream.linear.scatter [tilespmem:s26], [sflag:$0x5], $0x2000, $0x38;
	[tilespmem:$0x18200] =	vst v63  }
0x3a: {  	_ =	swait.ge [sflag:s28], $0x2000  }
0x3b: {  	[sflag:s28] =	ssyncset.done $0x0  }
0x3c: {  	[sflag:s28] =	ssyncadd.s32 $0xFFFFE000  }
0x3d: {  	[spmem:s20] =	stream.linear.scatter [tilespmem:s26], [sflag:$0x5], $0x2000, $0x38;
	[tilespmem:$0x18200] =	vst v63  }
0x3e: {  	_ =	swait.ge [sflag:s28], $0x2000  }
0x3f: {  	[sflag:s28] =	ssyncset.done $0x0  }
0x40: {  	[sflag:s28] =	ssyncadd.s32 $0xFFFFE000  }
0x41: {  	[spmem:s21] =	stream.linear.scatter [tilespmem:s26], [sflag:$0x5], $0x2000, $0x38;
	[tilespmem:$0x18200] =	vst v63  }
0x42: {  	_ =	swait.ge [sflag:s28], $0x2000  }
0x43: {  	[sflag:s28] =	ssyncset.done $0x0  }
0x44: {  	[sflag:s28] =	ssyncadd.s32 $0xFFFFE000  }
0x45: {  	[spmem:s22] =	stream.linear.scatter [tilespmem:s26], [sflag:$0x5], $0x2000, $0x38;
	[tilespmem:$0x18200] =	vst v63  }
0x46: {  	_ =	swait.ge [sflag:s28], $0x2000  }
0x47: {  	[sflag:s28] =	ssyncset.done $0x0  }
0x48: {  	[sflag:s28] =	ssyncadd.s32 $0xFFFFE000  }
0x49: {  	[spmem:s23] =	stream.linear.scatter [tilespmem:s26], [sflag:$0x5], $0x2000, $0x38;
	[tilespmem:$0x18200] =	vst v63  }
0x4a: {  	_ =	swait.ge [sflag:s28], $0x2000  }
0x4b: {  	[sflag:s28] =	ssyncset.done $0x0  }
0x4c: {  	[sflag:s28] =	ssyncadd.s32 $0xFFFFE000  }
0x4d: {  	[bflag:$0x0] =	sbarrier.arrive $0xFFFF  }
0x4e: {  	s17 =	rddreg [dreg:$0x4]  }
0x4f: {  	[tilespmem:s4], [sflag:$0x1] =	stream.linear.gather [hbm4b:s17+s4], $0x40, $0x38;
	[tilespmem:$0x18200] =	vst v63  }
0x50: {  	s15 =	rddreg [dreg:$0x5]  }
0x51: {  	[tilespmem:s29], [sflag:$0x1] =	stream.linear.gather [hbm4b:s15+s4], $0x40, $0x38;
	[tilespmem:$0x18200] =	vst v63  }
0x52: {  	s16 =	rddreg [dreg:$0x6]  }
0x53: {  	[tilespmem:s30], [sflag:$0x2] =	stream.linear.gather [hbm4b:s16+s4], $0x40, $0x38;
	[tilespmem:$0x18200] =	vst v63  }
0x54: {  	s17 =	rddreg [dreg:$0x7]  }
0x55: {  	[tilespmem:s31], [sflag:$0x2] =	stream.linear.gather [hbm4b:s17+s4], $0x40, $0x38;
	[tilespmem:$0x18200] =	vst v63  }
0x56: {  	_ =	swait.ge [sflag:s0], $0x40  }
0x57: {  	[sflag:s0] =	ssyncset.done $0x0  }
0x58: {  	[sflag:s0] =	ssyncadd.s32 $0xFFFFFFC0  }
0x59: {  	_ =	swait.ge [sflag:s0], $0x40  }
0x5a: {  	[sflag:s0] =	ssyncset.done $0x0  }
0x5b: {  	[sflag:s0] =	ssyncadd.s32 $0xFFFFFFC0  }
0x5c: {  	[tilespmem:s26], [sflag:$0x3] =	stream.indirect.gather [hbm4b:s1+s3], $0x80, s4, s3, $0xb8;
	[tilespmem:$0x18200] =	vst v63  }
0x5d: {  	_ =	swait.ge [sflag:s8], $0x40  }
0x5e: {  	[sflag:s8] =	ssyncset.done $0x0  }
0x5f: {  	[sflag:s8] =	ssyncadd.s32 $0xFFFFFFC0  }
0x60: {  	_ =	swait.ge [sflag:s8], $0x40  }
0x61: {  	[sflag:s8] =	ssyncset.done $0x0  }
0x62: {  	[sflag:s8] =	ssyncadd.s32 $0xFFFFFFC0  }
0x63: {  	[tilespmem:s9], [sflag:$0x4] =	stream.indirect.gather [hbm4b:s1+s3], $0x80, s30, s3, $0xb8;
	[tilespmem:$0x18200] =	vst v63  }
0x64: {  	_ =	swait.ge [sflag:s10], $0x2000  }
0x65: {  	[sflag:s10] =	ssyncset.done $0x0  }
0x66: {  	[sflag:s10] =	ssyncadd.s32 $0xFFFFE000  }
0x67: {  	[spmem:s2] =	stream.indirect.scatter.add.f32 [tilespmem:s26], [sflag:$0x5], $0x80, s29, s3, $0xb8;
	[tilespmem:$0x18200] =	vst v63  }
0x68: {  	_ =	swait.ge [sflag:s28], $0x2000  }
0x69: {  	[sflag:s28] =	ssyncset.done $0x0  }
0x6a: {  	s15 =	sadd.s32 s5, s25;
	[sflag:s28] =	ssyncadd.s32 $0xFFFFE000  }
0x6b: {  	[tilespmem:s4], [sflag:$0x1] =	stream.linear.gather [hbm4b:s15+s4], $0x40, $0x38;
	[tilespmem:$0x18200] =	vst v63  }
0x6c: {  	s16 =	sadd.s32 s6, s25  }
0x6d: {  	[tilespmem:s29], [sflag:$0x1] =	stream.linear.gather [hbm4b:s16+s4], $0x40, $0x38;
	[tilespmem:$0x18200] =	vst v63  }
0x6e: {  	_ =	swait.ge [sflag:s0], $0x40  }
0x6f: {  	[sflag:s0] =	ssyncset.done $0x0  }
0x70: {  	[sflag:s0] =	ssyncadd.s32 $0xFFFFFFC0  }
0x71: {  	_ =	swait.ge [sflag:s0], $0x40  }
0x72: {  	[sflag:s0] =	ssyncset.done $0x0  }
0x73: {  	[sflag:s0] =	ssyncadd.s32 $0xFFFFFFC0  }
0x74: {  	[tilespmem:s26], [sflag:$0x3] =	stream.indirect.gather [hbm4b:s1+s3], $0x80, s4, s3, $0xb8;
	[tilespmem:$0x18200] =	vst v63  }
0x75: {  	_ =	swait.ge [sflag:s12], $0x2000  }
0x76: {  	[sflag:s12] =	ssyncset.done $0x0  }
0x77: {  	p0 =	sne.s32 s11, $0x1;
	[sflag:s12] =	ssyncadd.s32 $0xFFFFE000  }
0x78: {  	[spmem:s2] =	stream.indirect.scatter.add.f32 [tilespmem:s9], [sflag:$0x5], $0x80, s31, s3, $0xb8;
	[tilespmem:$0x18200] =	vst v63  }
.Ltmp1:
0x79: {  	_ =	swait.ge [sflag:s28], $0x2000;
	(pc) =	sbr.rel @!p0 .LBB2_5-.Ltmp1, $4  }
0x7a: {  	[sflag:s28] =	ssyncset.done $0x0  }
0x7b: {  	s14 =	sadd.s32 $0xFFFFFFFF, s11;
	s17 =	sadd.s32 s5, s24;
	[sflag:s28] =	ssyncadd.s32 $0xFFFFE000  }
0x7c: {  	[tilespmem:s30], [sflag:$0x2] =	stream.linear.gather [hbm4b:s17+s4], $0x40, $0x38;
	[tilespmem:$0x18200] =	vst v63  }
0x7d: {  	s15 =	sadd.s32 $0x10, s6;
	s16 =	sadd.s32 $0x10, s5;
	s17 =	sadd.s32 s6, s24  }
.LBB2_4:
0x7e: {  	[tilespmem:s31], [sflag:$0x2] =	stream.linear.gather [hbm4b:s17+s4], $0x40, $0x38;
	[tilespmem:$0x18200] =	vst v63  }
0x7f: {  	p0 =	sne.s32 s14, $0x1;
	s14 =	sadd.s32 $0xFFFFFFFF, s14;
	_ =	swait.ge [sflag:s8], $0x40  }
0x80: {  	[sflag:s8] =	ssyncset.done $0x0  }
0x81: {  	[sflag:s8] =	ssyncadd.s32 $0xFFFFFFC0  }
0x82: {  	_ =	swait.ge [sflag:s8], $0x40  }
0x83: {  	[sflag:s8] =	ssyncset.done $0x0  }
0x84: {  	[sflag:s8] =	ssyncadd.s32 $0xFFFFFFC0  }
0x85: {  	[tilespmem:s9], [sflag:$0x4] =	stream.indirect.gather [hbm4b:s1+s3], $0x80, s30, s3, $0xb8;
	[tilespmem:$0x18200] =	vst v63  }
0x86: {  	_ =	swait.ge [sflag:s10], $0x2000  }
0x87: {  	[sflag:s10] =	ssyncset.done $0x0  }
0x88: {  	[sflag:s10] =	ssyncadd.s32 $0xFFFFE000  }
0x89: {  	[spmem:s2] =	stream.indirect.scatter.add.f32 [tilespmem:s26], [sflag:$0x5], $0x80, s29, s3, $0xb8;
	[tilespmem:$0x18200] =	vst v63  }
0x8a: {  	_ =	swait.ge [sflag:s28], $0x2000  }
0x8b: {  	[sflag:s28] =	ssyncset.done $0x0  }
0x8c: {  	s17 =	sadd.s32 s16, s25;
	[sflag:s28] =	ssyncadd.s32 $0xFFFFE000  }
0x8d: {  	[tilespmem:s4], [sflag:$0x1] =	stream.linear.gather [hbm4b:s17+s4], $0x40, $0x38;
	[tilespmem:$0x18200] =	vst v63  }
0x8e: {  	s17 =	sadd.s32 s15, s25  }
0x8f: {  	[tilespmem:s29], [sflag:$0x1] =	stream.linear.gather [hbm4b:s17+s4], $0x40, $0x38;
	[tilespmem:$0x18200] =	vst v63  }
0x90: {  	_ =	swait.ge [sflag:s0], $0x40  }
0x91: {  	[sflag:s0] =	ssyncset.done $0x0  }
0x92: {  	[sflag:s0] =	ssyncadd.s32 $0xFFFFFFC0  }
0x93: {  	_ =	swait.ge [sflag:s0], $0x40  }
0x94: {  	[sflag:s0] =	ssyncset.done $0x0  }
0x95: {  	[sflag:s0] =	ssyncadd.s32 $0xFFFFFFC0  }
0x96: {  	[tilespmem:s26], [sflag:$0x3] =	stream.indirect.gather [hbm4b:s1+s3], $0x80, s4, s3, $0xb8;
	[tilespmem:$0x18200] =	vst v63  }
0x97: {  	_ =	swait.ge [sflag:s12], $0x2000  }
0x98: {  	[sflag:s12] =	ssyncset.done $0x0  }
0x99: {  	[sflag:s12] =	ssyncadd.s32 $0xFFFFE000  }
0x9a: {  	[spmem:s2] =	stream.indirect.scatter.add.f32 [tilespmem:s9], [sflag:$0x5], $0x80, s31, s3, $0xb8;
	[tilespmem:$0x18200] =	vst v63  }
.Ltmp2:
0x9b: {  	_ =	swait.ge [sflag:s28], $0x2000;
	(pc) =	sbr.rel @p0 .LBB2_4-.Ltmp2, $4  }
0x9c: {  	[sflag:s28] =	ssyncset.done $0x0  }
0x9d: {  	s17 =	sadd.s32 s16, s24;
	[sflag:s28] =	ssyncadd.s32 $0xFFFFE000  }
0x9e: {  	[tilespmem:s30], [sflag:$0x2] =	stream.linear.gather [hbm4b:s17+s4], $0x40, $0x38;
	[tilespmem:$0x18200] =	vst v63  }
0x9f: {  	s16 =	sadd.s32 $0x10, s16;
	s17 =	sadd.s32 s15, s24;
	s15 =	sadd.s32 $0x10, s15  }
.LBB2_5:
0xa0: {  	[tilespmem:s31], [sflag:$0x2] =	stream.linear.gather [hbm4b:s17+s4], $0x40, $0x38;
	[tilespmem:$0x18200] =	vst v63  }
0xa1: {  	_ =	swait.ge [sflag:s8], $0x40  }
0xa2: {  	[sflag:s8] =	ssyncset.done $0x0  }
0xa3: {  	[sflag:s8] =	ssyncadd.s32 $0xFFFFFFC0  }
0xa4: {  	_ =	swait.ge [sflag:s8], $0x40  }
0xa5: {  	[sflag:s8] =	ssyncset.done $0x0  }
0xa6: {  	[sflag:s8] =	ssyncadd.s32 $0xFFFFFFC0  }
0xa7: {  	[tilespmem:s9], [sflag:$0x4] =	stream.indirect.gather [hbm4b:s1+s3], $0x80, s30, s3, $0xb8;
	[tilespmem:$0x18200] =	vst v63  }
0xa8: {  	_ =	swait.ge [sflag:s10], $0x2000  }
0xa9: {  	[sflag:s10] =	ssyncset.done $0x0  }
0xaa: {  	[sflag:s10] =	ssyncadd.s32 $0xFFFFE000  }
0xab: {  	[spmem:s2] =	stream.indirect.scatter.add.f32 [tilespmem:s26], [sflag:$0x5], $0x80, s29, s3, $0xb8;
	[tilespmem:$0x18200] =	vst v63  }
0xac: {  	_ =	swait.ge [sflag:s28], $0x2000  }
0xad: {  	[sflag:s28] =	ssyncset.done $0x0  }
0xae: {  	[sflag:s28] =	ssyncadd.s32 $0xFFFFE000  }
0xaf: {  	_ =	swait.ge [sflag:s12], $0x2000  }
0xb0: {  	[sflag:s12] =	ssyncset.done $0x0  }
0xb1: {  	[sflag:s12] =	ssyncadd.s32 $0xFFFFE000  }
0xb2: {  	[spmem:s2] =	stream.indirect.scatter.add.f32 [tilespmem:s9], [sflag:$0x5], $0x80, s31, s3, $0xb8;
	[tilespmem:$0x18200] =	vst v63  }
0xb3: {  	_ =	swait.ge [sflag:s28], $0x2000  }
0xb4: {  	[sflag:s28] =	ssyncset.done $0x0  }
0xb5: {  	s14 =	stileid.u32;
	[sflag:s28] =	ssyncadd.s32 $0xFFFFE000  }
0xb6: {  	s14 =	sshll.u32 s14, $0x6;
	[bflag:$0x0] =	sbarrier.arrive $0xFFFF  }
0xb7: {  	s15 =	sshrl.u32 s7, $0x3;
	s14 =	sor.u32 $0x1C05, s14;
	s16 =	rddreg [dreg:$0x8]  }
0xb8: {  	[hbm:s16], [sflag:s14] =	dma.local [spmem:s15], $0x2800  }
0xb9: {  	_ =	swait.ge [sflag:s28], $0x2800  }
0xba: {  	s13 =	sadd.s32 $0x1, s13;
	s17 =	rddreg [dreg:$0x9]  }
0xbb: {  	p0 =	sne.s32 s13, s17  }
.Ltmp3:
0xbc: {  	_ = 	snop;
	(pc) =	sbr.rel @p0 .LBB2_1-.Ltmp3, $3  }
0xbd: {  	_ =	sdelay $0x1  }
0xbe: {  	[sflag:s28] =	ssyncset.done $0x0  }
0xbf: {  	[sflag:s28] =	ssyncadd.s32 $0xFFFFD800  }
0xc0: {  	_ =	sfence.sel $0x180000  }
0xc1: {  	[bflag:$0x0] =	sbarrier.arrive $0xFFFF  }
0xc2: {  	_ =	strace $0x9000004A  }
0xc3: {  	s0 =	stileid.u32;
	[bflag:$0x2] =	sbarrier.arrive $0xFFFF  }
0xc4: {  	p0 =	sne.s32 s0, $0x0;
	s0 =	rddreg [dreg:$0x3]  }
0xc5: {  	s0 =	sadd.s32 @!p0 $0x100000, s0  }
0xc6: {  	[sflag:s0] =	ssyncadd.tile.s32 @!p0 $0x1;
	_ =	shalt  }
.Lfunc_end2:
_tile_overlayer_lowered:
.L_overlay_start_2:
0xc7: {  	(tag) =	ssettag $0x2  }
0xc8: {  	s0 =	rddreg [dreg:$0x0];
	s2 =	stileid.u32  }
0xc9: {  	s1 =	rddreg [dreg:$0x1];
	p0 =	sne.s32 s2, $0x0  }
0xca: {  	s3 =	rddreg [dreg:$0x2];
	[bflag:$0x3] =	sbarrier.arrive $0xFFFF;
	s2 =	simm.s32 @!p0 $0x1C05  }
0xcb: {  	[timem:s3], [sflag:s2] =	dma.local @!p0 [hbm:s0], s1  }
0xcc: {  	s0 =	simm.s32 @!p0 $0x5  }
0xcd: {  	_ =	swait.ge @!p0 [sflag:s0], s1  }
0xce: {  	s1 =	ssub.s32 @!p0 $0x0, s1;
	[sflag:s0] =	ssyncset.done @!p0 $0x0  }
0xcf: {  	[sflag:s0] =	ssyncadd.s32 @!p0 s1  }
0xd0: {  	[bflag:$0x3] =	sbarrier.arrive $0xFFFF  }
0xd1: {  	_ =	shalt  }

</sc_bundles>
